<compile_context>
chip_gen: v7x
topology: tpu7x:2x2x1
jax: 0.10.2.dev20260603
libtpu: 0.0.44.dev20260713+nightly
codegen_flags: <defaults>
</compile_context>

<pallas_src>
import functools

import jax
import jax.numpy as jnp
from jax import lax
from jax.experimental import pallas as pl
from jax.experimental.pallas import tpu as pltpu
from jax.experimental.pallas import tpu_sc as plsc

B, H, W = 4096, 128, 128
NC, NS = 2, 16
NW = NC * NS
SPW = B // NW
L = 16
CPR = W // L
CH = 64
TURNS = SPW * (H // CH)
NSLOT = 2

_mesh = plsc.VectorSubcoreMesh(core_axis_name="c", subcore_axis_name="s")

f32 = jnp.float32
i32 = jnp.int32


@functools.partial(
    pl.kernel,
    out_type=(
        jax.ShapeDtypeStruct((B * H, W), f32),
        jax.ShapeDtypeStruct((B,), f32),
        jax.ShapeDtypeStruct((B,), f32),
        jax.ShapeDtypeStruct((B * H, W), f32),
    ),
    mesh=_mesh,
    compiler_params=pltpu.CompilerParams(needs_layout_passes=False),
    scratch_types=(
        [pltpu.VMEM((CH, W), f32) for _ in range(NSLOT)]
        + [pltpu.VMEM((CH, W), f32) for _ in range(NSLOT)]
        + [pltpu.VMEM((CH, W), f32) for _ in range(NSLOT)]
        + [pltpu.VMEM((CH, W), f32) for _ in range(NSLOT)]
        + [pltpu.VMEM((CH, W), f32) for _ in range(NSLOT)]
        + [
            pltpu.VMEM((SPW,), f32),
            pltpu.VMEM((SPW,), i32),
            pltpu.VMEM((SPW,), i32),
            pltpu.VMEM((SPW,), f32),
            pltpu.VMEM((SPW,), f32),
            pltpu.VMEM((SPW,), f32),
            pltpu.VMEM((SPW,), f32),
        ]
        + [pltpu.SemaphoreType.DMA for _ in range(5 * NSLOT)]
    ),
)
def _aug_sc(patt_hbm, fx_hbm, fy_hbm, zvel_hbm, gauss_hbm, nl_hbm,
            hm_hbm, wm_hbm, sgx_hbm, sgy_hbm,
            patt_out, fx_out, fy_out, zvel_out,
            pin0, pin1, gin0, gin1, zin0, zin1, pout0, pout1,
            zout0, zout1,
            nl_v, hm_v, wm_v, sgx_v, sgy_v, fx_v, fy_v,
            spi0, spi1, sgi0, sgi1, szi0, szi1, spo0, spo1, szo0, szo1):
    pin = (pin0, pin1)
    gin = (gin0, gin1)
    zin = (zin0, zin1)
    pout = (pout0, pout1)
    zout = (zout0, zout1)
    sem_pi = (spi0, spi1)
    sem_gi = (sgi0, sgi1)
    sem_zi = (szi0, szi1)
    sem_po = (spo0, spo1)
    sem_zo = (szo0, szo1)

    wid = lax.axis_index("s") * NC + lax.axis_index("c")
    base = wid * SPW

    pltpu.sync_copy(nl_hbm.at[pl.ds(base, SPW)], nl_v)
    pltpu.sync_copy(hm_hbm.at[pl.ds(base, SPW)], hm_v)
    pltpu.sync_copy(wm_hbm.at[pl.ds(base, SPW)], wm_v)
    pltpu.sync_copy(sgx_hbm.at[pl.ds(base, SPW)], sgx_v)
    pltpu.sync_copy(sgy_hbm.at[pl.ds(base, SPW)], sgy_v)
    pltpu.sync_copy(fx_hbm.at[pl.ds(base, SPW)], fx_v)
    pltpu.sync_copy(fy_hbm.at[pl.ds(base, SPW)], fy_v)

    for c in range(SPW // L):
        sl = pl.ds(c * L, L)
        fx_v[sl] = fx_v[sl] * sgx_v[sl]
        fy_v[sl] = fy_v[sl] * sgy_v[sl]
    pltpu.sync_copy(fx_v, fx_out.at[pl.ds(base, SPW)])
    pltpu.sync_copy(fy_v, fy_out.at[pl.ds(base, SPW)])

    lane_iota = lax.iota(i32, L)

    def splat(ref, s):
        return plsc.load_gather(ref, [jnp.full((L,), s, dtype=i32)])

    def hm_scalar(s):
        chunk = hm_v[pl.ds(pl.multiple_of((s // L) * L, L), L)]
        masked = jnp.where(lane_iota == s % L, chunk, 0)
        return jnp.sum(masked, axis=0)

    def issue_in(j, t):
        s = t // (H // CH)
        r0 = (t % (H // CH)) * CH
        g0 = pl.multiple_of((base + s) * H + r0, CH)
        hs = hm_scalar(s)
        p0 = (base + s) * H + lax.bitwise_xor(r0, lax.bitwise_and(hs, H - CH))
        p0 = pl.multiple_of(p0, CH)
        pltpu.make_async_copy(
            patt_hbm.at[pl.ds(p0, CH)], pin[j], sem_pi[j]).start()
        pltpu.make_async_copy(
            zvel_hbm.at[pl.ds(p0, CH)], zin[j], sem_zi[j]).start()
        pltpu.make_async_copy(
            gauss_hbm.at[pl.ds(g0, CH)], gin[j], sem_gi[j]).start()

    def wait_in(j):
        pltpu.make_async_copy(patt_hbm.at[pl.ds(0, CH)], pin[j],
                              sem_pi[j]).wait()
        pltpu.make_async_copy(zvel_hbm.at[pl.ds(0, CH)], zin[j],
                              sem_zi[j]).wait()
        pltpu.make_async_copy(gauss_hbm.at[pl.ds(0, CH)], gin[j],
                              sem_gi[j]).wait()

    def issue_out(j, t):
        s = t // (H // CH)
        r0 = (t % (H // CH)) * CH
        g0 = pl.multiple_of((base + s) * H + r0, CH)
        pltpu.make_async_copy(pout[j], patt_out.at[pl.ds(g0, CH)],
                              sem_po[j]).start()
        pltpu.make_async_copy(zout[j], zvel_out.at[pl.ds(g0, CH)],
                              sem_zo[j]).start()

    def wait_out(j):
        pltpu.make_async_copy(pout[j], patt_out.at[pl.ds(0, CH)],
                              sem_po[j]).wait()
        pltpu.make_async_copy(zout[j], zvel_out.at[pl.ds(0, CH)],
                              sem_zo[j]).wait()

    def compute(j, t):
        s = t // (H // CH)
        nl = splat(nl_v, s)
        one_m = 1.0 - nl
        fy_b = splat(wm_v, s) != 0
        rxor = lax.bitwise_and(hm_scalar(s), CH - 1)

        def row_body(r, _):
            rs = lax.bitwise_xor(r, rxor)
            p = [pin[j][rs, pl.ds(k * L, L)] for k in range(CPR)]
            z = [zin[j][rs, pl.ds(k * L, L)] for k in range(CPR)]
            for k in range(CPR):
                sl = pl.ds(k * L, L)
                ps = jnp.where(fy_b, jnp.flip(p[CPR - 1 - k], 0), p[k])
                zs = jnp.where(fy_b, jnp.flip(z[CPR - 1 - k], 0), z[k])
                pout[j][r, sl] = one_m * ps + nl * gin[j][r, sl]
                zout[j][r, sl] = zs
            return _

        lax.fori_loop(0, CH, row_body, 0)

    for j in range(NSLOT):
        issue_in(j, jnp.int32(j))

    def pair_body(t0, carry):
        for j in range(NSLOT):
            t = t0 + j
            wait_in(j)

            @pl.when(t >= NSLOT)
            def _():
                wait_out(j)

            compute(j, t)
            issue_out(j, t)

            @pl.when(t + NSLOT < TURNS)
            def _():
                issue_in(j, t + NSLOT)

        return carry

    lax.fori_loop(0, TURNS // NSLOT, lambda i, c: pair_body(i * NSLOT, c), 0)

    for j in range(NSLOT):
        wait_out(j)


def kernel(pattern, force_x, force_y, z_vel, gaussian, noise_levels,
           flip_x, flip_y):
    hm = flip_x.astype(i32) * (H - 1)
    wm = flip_y.astype(i32) * (W - 1)
    sgx = jnp.where(flip_x, -1.0, 1.0).astype(f32)
    sgy = jnp.where(flip_y, -1.0, 1.0).astype(f32)
    patt, fx, fy, zv = _aug_sc(
        pattern.reshape(B * H, W), force_x, force_y,
        z_vel.reshape(B * H, W), gaussian.reshape(B * H, W),
        noise_levels, hm, wm, sgx, sgy)
    return patt.reshape(B, H, W), fx, fy, zv.reshape(B, H, W)

# --- scband reference (transcript-rebuilt; emitter-appended) ---
"""Pipeline reference for scband-augmentation-transform-2147483648601 (READ-ONLY COPY).

The authoritative reference and input builder live on the scoring server;
editing this copy changes nothing except your own understanding.
"""

import jax, jax.numpy as jnp
import numpy as np

NOISE = 0.1

def setup_inputs(seed: int = 0) -> dict:
    key = jax.random.key(seed)
    ks = jax.random.split(key, 8)
    B, H, W = 4096, 128, 128
    pattern = jax.random.normal(ks[0], (B, H, W), dtype=jnp.float32)
    force_x = jax.random.normal(ks[1], (B,), dtype=jnp.float32)
    force_y = jax.random.normal(ks[2], (B,), dtype=jnp.float32)
    z_vel = jax.random.normal(ks[3], (B, H, W), dtype=jnp.float32)
    gaussian = jax.random.normal(ks[4], (B, H, W), dtype=jnp.float32)
    noise_levels = jax.random.uniform(ks[5], (B,), dtype=jnp.float32) * NOISE
    flip_x = jax.random.uniform(ks[6], (B,)) < 0.5
    flip_y = jax.random.uniform(ks[7], (B,)) < 0.5
    return {"pattern": pattern, "force_x": force_x, "force_y": force_y,
            "z_vel": z_vel, "gaussian": gaussian, "noise_levels": noise_levels,
            "flip_x": flip_x, "flip_y": flip_y}

def reference(pattern, force_x, force_y, z_vel, gaussian, noise_levels, flip_x, flip_y):
    # flip_on_mask: masked scatter-overwrite of flipped rows/cols
    mx = flip_x[:, None, None]
    my = flip_y[:, None, None]
    pattern = jnp.where(mx, jnp.flip(pattern, axis=-2), pattern)
    force_x = jnp.where(flip_x, -force_x, force_x)
    z_vel = jnp.where(mx, jnp.flip(z_vel, axis=-2), z_vel)
    pattern = jnp.where(my, jnp.flip(pattern, axis=-1), pattern)
    force_y = jnp.where(flip_y, -force_y, force_y)
    z_vel = jnp.where(my, jnp.flip(z_vel, axis=-1), z_vel)
    # noise_augmentation: per-sample convex mix with gaussian noise
    nl = noise_levels[:, None, None]
    pattern = (1.0 - nl) * pattern + gaussian * nl
    return (pattern, force_x, force_y, z_vel)

if __name__ == "__main__":
    import jax
    _d = setup_inputs()
    print(jax.jit(kernel)(*tuple(_d.values())))

</pallas_src>

<mosaic_0001>
#map = affine_map<(d0, d1) -> (0, 0)>
#map1 = affine_map<(d0, d1) -> (0)>
module attributes {stable_mosaic.version = 14 : i64} {
  func.func @_aug_sc(%arg0: i32, %arg1: i32, %arg2: memref<524288x128xf32, #tpu.memory_space<hbm>>, %arg3: memref<4096xf32, #tpu.memory_space<hbm>>, %arg4: memref<4096xf32, #tpu.memory_space<hbm>>, %arg5: memref<524288x128xf32, #tpu.memory_space<hbm>>, %arg6: memref<524288x128xf32, #tpu.memory_space<hbm>>, %arg7: memref<4096xf32, #tpu.memory_space<hbm>>, %arg8: memref<4096xi32, #tpu.memory_space<hbm>>, %arg9: memref<4096xi32, #tpu.memory_space<hbm>>, %arg10: memref<4096xf32, #tpu.memory_space<hbm>>, %arg11: memref<4096xf32, #tpu.memory_space<hbm>>, %arg12: memref<524288x128xf32, #tpu.memory_space<hbm>>, %arg13: memref<4096xf32, #tpu.memory_space<hbm>>, %arg14: memref<4096xf32, #tpu.memory_space<hbm>>, %arg15: memref<524288x128xf32, #tpu.memory_space<hbm>>, %arg16: memref<64x128xf32, #tpu.memory_space<vmem>>, %arg17: memref<64x128xf32, #tpu.memory_space<vmem>>, %arg18: memref<64x128xf32, #tpu.memory_space<vmem>>, %arg19: memref<64x128xf32, #tpu.memory_space<vmem>>, %arg20: memref<64x128xf32, #tpu.memory_space<vmem>>, %arg21: memref<64x128xf32, #tpu.memory_space<vmem>>, %arg22: memref<64x128xf32, #tpu.memory_space<vmem>>, %arg23: memref<64x128xf32, #tpu.memory_space<vmem>>, %arg24: memref<64x128xf32, #tpu.memory_space<vmem>>, %arg25: memref<64x128xf32, #tpu.memory_space<vmem>>, %arg26: memref<128xf32, #tpu.memory_space<vmem>>, %arg27: memref<128xi32, #tpu.memory_space<vmem>>, %arg28: memref<128xi32, #tpu.memory_space<vmem>>, %arg29: memref<128xf32, #tpu.memory_space<vmem>>, %arg30: memref<128xf32, #tpu.memory_space<vmem>>, %arg31: memref<128xf32, #tpu.memory_space<vmem>>, %arg32: memref<128xf32, #tpu.memory_space<vmem>>, %arg33: memref<!tpu.dma_semaphore, #tpu.memory_space<semaphore_mem>>, %arg34: memref<!tpu.dma_semaphore, #tpu.memory_space<semaphore_mem>>, %arg35: memref<!tpu.dma_semaphore, #tpu.memory_space<semaphore_mem>>, %arg36: memref<!tpu.dma_semaphore, #tpu.memory_space<semaphore_mem>>, %arg37: memref<!tpu.dma_semaphore, #tpu.memory_space<semaphore_mem>>, %arg38: memref<!tpu.dma_semaphore, #tpu.memory_space<semaphore_mem>>, %arg39: memref<!tpu.dma_semaphore, #tpu.memory_space<semaphore_mem>>, %arg40: memref<!tpu.dma_semaphore, #tpu.memory_space<semaphore_mem>>, %arg41: memref<!tpu.dma_semaphore, #tpu.memory_space<semaphore_mem>>, %arg42: memref<!tpu.dma_semaphore, #tpu.memory_space<semaphore_mem>>) attributes {dimension_semantics = [#tpu.dimension_semantics<core_parallel>, #tpu.dimension_semantics<subcore_parallel>], iteration_bounds = array<i64: 2, 16>, scalar_prefetch = 0 : i64, scratch_operands = 27 : i64, tpu.core_type = #tpu.core_type<sc_vector_subcore>, window_params = [{transform_indices = #map}, {transform_indices = #map1}, {transform_indices = #map1}, {transform_indices = #map}, {transform_indices = #map}, {transform_indices = #map1}, {transform_indices = #map1}, {transform_indices = #map1}, {transform_indices = #map1}, {transform_indices = #map1}, {transform_indices = #map}, {transform_indices = #map1}, {transform_indices = #map1}, {transform_indices = #map}]} {
    %mul3A = arith.constant 2 : i32
    %mul3A_0 = arith.muli %arg1, %mul3A : i32
    %add3A = arith.addi %mul3A_0, %arg0 : i32
    %mul3A_1 = arith.constant 128 : i32
    %mul3A_2 = arith.muli %add3A, %mul3A_1 : i32
    "tpu.region"() ({
      %run_scoped3A = tpu.sem_alloc : memref<!tpu.dma_semaphore, #tpu.memory_space<semaphore_mem>>
      %dma_start3A_372 = tpu.memref_slice %arg7[%mul3A_2] : memref<4096xf32, #tpu.memory_space<hbm>> -> memref<128xf32, #tpu.memory_space<hbm>>
      %dma_start3A_373 = tpu.memref_slice %arg7[%mul3A_2] : memref<4096xf32, #tpu.memory_space<hbm>> -> memref<128xf32, #tpu.memory_space<hbm>>
      tpu.enqueue_dma source(%dma_start3A_373 : memref<128xf32, #tpu.memory_space<hbm>>) target(%arg26 : memref<128xf32, #tpu.memory_space<vmem>>) target_semaphore(%run_scoped3A : memref<!tpu.dma_semaphore, #tpu.memory_space<semaphore_mem>>)
      %dma_wait3A_374 = tpu.memref_slice %arg7[%mul3A_2] : memref<4096xf32, #tpu.memory_space<hbm>> -> memref<128xf32, #tpu.memory_space<hbm>>
      %dma_wait3A_375 = tpu.memref_slice %arg7[%mul3A_2] : memref<4096xf32, #tpu.memory_space<hbm>> -> memref<128xf32, #tpu.memory_space<hbm>>
      tpu.wait_dma2 semaphore(%run_scoped3A : memref<!tpu.dma_semaphore, #tpu.memory_space<semaphore_mem>>) src(%dma_wait3A_375 : memref<128xf32, #tpu.memory_space<hbm>>) dst(%arg26 : memref<128xf32, #tpu.memory_space<vmem>>)
      tpu.yield
    }) : () -> ()
    "tpu.region"() ({
      %run_scoped3A = tpu.sem_alloc : memref<!tpu.dma_semaphore, #tpu.memory_space<semaphore_mem>>
      %dma_start3A_372 = tpu.memref_slice %arg8[%mul3A_2] : memref<4096xi32, #tpu.memory_space<hbm>> -> memref<128xi32, #tpu.memory_space<hbm>>
      %dma_start3A_373 = tpu.memref_slice %arg8[%mul3A_2] : memref<4096xi32, #tpu.memory_space<hbm>> -> memref<128xi32, #tpu.memory_space<hbm>>
      tpu.enqueue_dma source(%dma_start3A_373 : memref<128xi32, #tpu.memory_space<hbm>>) target(%arg27 : memref<128xi32, #tpu.memory_space<vmem>>) target_semaphore(%run_scoped3A : memref<!tpu.dma_semaphore, #tpu.memory_space<semaphore_mem>>)
      %dma_wait3A_374 = tpu.memref_slice %arg8[%mul3A_2] : memref<4096xi32, #tpu.memory_space<hbm>> -> memref<128xi32, #tpu.memory_space<hbm>>
      %dma_wait3A_375 = tpu.memref_slice %arg8[%mul3A_2] : memref<4096xi32, #tpu.memory_space<hbm>> -> memref<128xi32, #tpu.memory_space<hbm>>
      tpu.wait_dma2 semaphore(%run_scoped3A : memref<!tpu.dma_semaphore, #tpu.memory_space<semaphore_mem>>) src(%dma_wait3A_375 : memref<128xi32, #tpu.memory_space<hbm>>) dst(%arg27 : memref<128xi32, #tpu.memory_space<vmem>>)
      tpu.yield
    }) : () -> ()
    "tpu.region"() ({
      %run_scoped3A = tpu.sem_alloc : memref<!tpu.dma_semaphore, #tpu.memory_space<semaphore_mem>>
      %dma_start3A_372 = tpu.memref_slice %arg9[%mul3A_2] : memref<4096xi32, #tpu.memory_space<hbm>> -> memref<128xi32, #tpu.memory_space<hbm>>
      %dma_start3A_373 = tpu.memref_slice %arg9[%mul3A_2] : memref<4096xi32, #tpu.memory_space<hbm>> -> memref<128xi32, #tpu.memory_space<hbm>>
      tpu.enqueue_dma source(%dma_start3A_373 : memref<128xi32, #tpu.memory_space<hbm>>) target(%arg28 : memref<128xi32, #tpu.memory_space<vmem>>) target_semaphore(%run_scoped3A : memref<!tpu.dma_semaphore, #tpu.memory_space<semaphore_mem>>)
      %dma_wait3A_374 = tpu.memref_slice %arg9[%mul3A_2] : memref<4096xi32, #tpu.memory_space<hbm>> -> memref<128xi32, #tpu.memory_space<hbm>>
      %dma_wait3A_375 = tpu.memref_slice %arg9[%mul3A_2] : memref<4096xi32, #tpu.memory_space<hbm>> -> memref<128xi32, #tpu.memory_space<hbm>>
      tpu.wait_dma2 semaphore(%run_scoped3A : memref<!tpu.dma_semaphore, #tpu.memory_space<semaphore_mem>>) src(%dma_wait3A_375 : memref<128xi32, #tpu.memory_space<hbm>>) dst(%arg28 : memref<128xi32, #tpu.memory_space<vmem>>)
      tpu.yield
    }) : () -> ()
    "tpu.region"() ({
      %run_scoped3A = tpu.sem_alloc : memref<!tpu.dma_semaphore, #tpu.memory_space<semaphore_mem>>
      %dma_start3A_372 = tpu.memref_slice %arg10[%mul3A_2] : memref<4096xf32, #tpu.memory_space<hbm>> -> memref<128xf32, #tpu.memory_space<hbm>>
      %dma_start3A_373 = tpu.memref_slice %arg10[%mul3A_2] : memref<4096xf32, #tpu.memory_space<hbm>> -> memref<128xf32, #tpu.memory_space<hbm>>
      tpu.enqueue_dma source(%dma_start3A_373 : memref<128xf32, #tpu.memory_space<hbm>>) target(%arg29 : memref<128xf32, #tpu.memory_space<vmem>>) target_semaphore(%run_scoped3A : memref<!tpu.dma_semaphore, #tpu.memory_space<semaphore_mem>>)
      %dma_wait3A_374 = tpu.memref_slice %arg10[%mul3A_2] : memref<4096xf32, #tpu.memory_space<hbm>> -> memref<128xf32, #tpu.memory_space<hbm>>
      %dma_wait3A_375 = tpu.memref_slice %arg10[%mul3A_2] : memref<4096xf32, #tpu.memory_space<hbm>> -> memref<128xf32, #tpu.memory_space<hbm>>
      tpu.wait_dma2 semaphore(%run_scoped3A : memref<!tpu.dma_semaphore, #tpu.memory_space<semaphore_mem>>) src(%dma_wait3A_375 : memref<128xf32, #tpu.memory_space<hbm>>) dst(%arg29 : memref<128xf32, #tpu.memory_space<vmem>>)
      tpu.yield
    }) : () -> ()
    "tpu.region"() ({
      %run_scoped3A = tpu.sem_alloc : memref<!tpu.dma_semaphore, #tpu.memory_space<semaphore_mem>>
      %dma_start3A_372 = tpu.memref_slice %arg11[%mul3A_2] : memref<4096xf32, #tpu.memory_space<hbm>> -> memref<128xf32, #tpu.memory_space<hbm>>
      %dma_start3A_373 = tpu.memref_slice %arg11[%mul3A_2] : memref<4096xf32, #tpu.memory_space<hbm>> -> memref<128xf32, #tpu.memory_space<hbm>>
      tpu.enqueue_dma source(%dma_start3A_373 : memref<128xf32, #tpu.memory_space<hbm>>) target(%arg30 : memref<128xf32, #tpu.memory_space<vmem>>) target_semaphore(%run_scoped3A : memref<!tpu.dma_semaphore, #tpu.memory_space<semaphore_mem>>)
      %dma_wait3A_374 = tpu.memref_slice %arg11[%mul3A_2] : memref<4096xf32, #tpu.memory_space<hbm>> -> memref<128xf32, #tpu.memory_space<hbm>>
      %dma_wait3A_375 = tpu.memref_slice %arg11[%mul3A_2] : memref<4096xf32, #tpu.memory_space<hbm>> -> memref<128xf32, #tpu.memory_space<hbm>>
      tpu.wait_dma2 semaphore(%run_scoped3A : memref<!tpu.dma_semaphore, #tpu.memory_space<semaphore_mem>>) src(%dma_wait3A_375 : memref<128xf32, #tpu.memory_space<hbm>>) dst(%arg30 : memref<128xf32, #tpu.memory_space<vmem>>)
      tpu.yield
    }) : () -> ()
    "tpu.region"() ({
      %run_scoped3A = tpu.sem_alloc : memref<!tpu.dma_semaphore, #tpu.memory_space<semaphore_mem>>
      %dma_start3A_372 = tpu.memref_slice %arg3[%mul3A_2] : memref<4096xf32, #tpu.memory_space<hbm>> -> memref<128xf32, #tpu.memory_space<hbm>>
      %dma_start3A_373 = tpu.memref_slice %arg3[%mul3A_2] : memref<4096xf32, #tpu.memory_space<hbm>> -> memref<128xf32, #tpu.memory_space<hbm>>
      tpu.enqueue_dma source(%dma_start3A_373 : memref<128xf32, #tpu.memory_space<hbm>>) target(%arg31 : memref<128xf32, #tpu.memory_space<vmem>>) target_semaphore(%run_scoped3A : memref<!tpu.dma_semaphore, #tpu.memory_space<semaphore_mem>>)
      %dma_wait3A_374 = tpu.memref_slice %arg3[%mul3A_2] : memref<4096xf32, #tpu.memory_space<hbm>> -> memref<128xf32, #tpu.memory_space<hbm>>
      %dma_wait3A_375 = tpu.memref_slice %arg3[%mul3A_2] : memref<4096xf32, #tpu.memory_space<hbm>> -> memref<128xf32, #tpu.memory_space<hbm>>
      tpu.wait_dma2 semaphore(%run_scoped3A : memref<!tpu.dma_semaphore, #tpu.memory_space<semaphore_mem>>) src(%dma_wait3A_375 : memref<128xf32, #tpu.memory_space<hbm>>) dst(%arg31 : memref<128xf32, #tpu.memory_space<vmem>>)
      tpu.yield
    }) : () -> ()
    "tpu.region"() ({
      %run_scoped3A = tpu.sem_alloc : memref<!tpu.dma_semaphore, #tpu.memory_space<semaphore_mem>>
      %dma_start3A_372 = tpu.memref_slice %arg4[%mul3A_2] : memref<4096xf32, #tpu.memory_space<hbm>> -> memref<128xf32, #tpu.memory_space<hbm>>
      %dma_start3A_373 = tpu.memref_slice %arg4[%mul3A_2] : memref<4096xf32, #tpu.memory_space<hbm>> -> memref<128xf32, #tpu.memory_space<hbm>>
      tpu.enqueue_dma source(%dma_start3A_373 : memref<128xf32, #tpu.memory_space<hbm>>) target(%arg32 : memref<128xf32, #tpu.memory_space<vmem>>) target_semaphore(%run_scoped3A : memref<!tpu.dma_semaphore, #tpu.memory_space<semaphore_mem>>)
      %dma_wait3A_374 = tpu.memref_slice %arg4[%mul3A_2] : memref<4096xf32, #tpu.memory_space<hbm>> -> memref<128xf32, #tpu.memory_space<hbm>>
      %dma_wait3A_375 = tpu.memref_slice %arg4[%mul3A_2] : memref<4096xf32, #tpu.memory_space<hbm>> -> memref<128xf32, #tpu.memory_space<hbm>>
      tpu.wait_dma2 semaphore(%run_scoped3A : memref<!tpu.dma_semaphore, #tpu.memory_space<semaphore_mem>>) src(%dma_wait3A_375 : memref<128xf32, #tpu.memory_space<hbm>>) dst(%arg32 : memref<128xf32, #tpu.memory_space<vmem>>)
      tpu.yield
    }) : () -> ()
    %get3A = arith.constant 0 : index
    %get3A_3 = tpu.vector_load %arg31[%get3A] {strides = array<i32>} : memref<128xf32, #tpu.memory_space<vmem>>, vector<16xf32>,
    %get3A_4 = arith.constant 0 : index
    %get3A_5 = tpu.vector_load %arg29[%get3A_4] {strides = array<i32>} : memref<128xf32, #tpu.memory_space<vmem>>, vector<16xf32>,
    %mul3A_6 = arith.mulf %get3A_3, %get3A_5 : vector<16xf32>
    %swap3A = arith.constant 0 : index
    %swap3A_7 = tpu.vector_load %arg31[%swap3A] {strides = array<i32>} : memref<128xf32, #tpu.memory_space<vmem>>, vector<16xf32>,
    tpu.vector_store %arg31[%swap3A], %mul3A_6 {strides = array<i32>} : memref<128xf32, #tpu.memory_space<vmem>>, vector<16xf32>,
    %get3A_8 = arith.constant 0 : index
    %get3A_9 = tpu.vector_load %arg32[%get3A_8] {strides = array<i32>} : memref<128xf32, #tpu.memory_space<vmem>>, vector<16xf32>,
    %get3A_10 = arith.constant 0 : index
    %get3A_11 = tpu.vector_load %arg30[%get3A_10] {strides = array<i32>} : memref<128xf32, #tpu.memory_space<vmem>>, vector<16xf32>,
    %mul3A_12 = arith.mulf %get3A_9, %get3A_11 : vector<16xf32>
    %swap3A_13 = arith.constant 0 : index
    %swap3A_14 = tpu.vector_load %arg32[%swap3A_13] {strides = array<i32>} : memref<128xf32, #tpu.memory_space<vmem>>, vector<16xf32>,
    tpu.vector_store %arg32[%swap3A_13], %mul3A_12 {strides = array<i32>} : memref<128xf32, #tpu.memory_space<vmem>>, vector<16xf32>,
    %get3A_15 = arith.constant 16 : index
    %get3A_16 = tpu.vector_load %arg31[%get3A_15] {strides = array<i32>} : memref<128xf32, #tpu.memory_space<vmem>>, vector<16xf32>,
    %get3A_17 = arith.constant 16 : index
    %get3A_18 = tpu.vector_load %arg29[%get3A_17] {strides = array<i32>} : memref<128xf32, #tpu.memory_space<vmem>>, vector<16xf32>,
    %mul3A_19 = arith.mulf %get3A_16, %get3A_18 : vector<16xf32>
    %swap3A_20 = arith.constant 16 : index
    %swap3A_21 = tpu.vector_load %arg31[%swap3A_20] {strides = array<i32>} : memref<128xf32, #tpu.memory_space<vmem>>, vector<16xf32>,
    tpu.vector_store %arg31[%swap3A_20], %mul3A_19 {strides = array<i32>} : memref<128xf32, #tpu.memory_space<vmem>>, vector<16xf32>,
    %get3A_22 = arith.constant 16 : index
    %get3A_23 = tpu.vector_load %arg32[%get3A_22] {strides = array<i32>} : memref<128xf32, #tpu.memory_space<vmem>>, vector<16xf32>,
    %get3A_24 = arith.constant 16 : index
    %get3A_25 = tpu.vector_load %arg30[%get3A_24] {strides = array<i32>} : memref<128xf32, #tpu.memory_space<vmem>>, vector<16xf32>,
    %mul3A_26 = arith.mulf %get3A_23, %get3A_25 : vector<16xf32>
    %swap3A_27 = arith.constant 16 : index
    %swap3A_28 = tpu.vector_load %arg32[%swap3A_27] {strides = array<i32>} : memref<128xf32, #tpu.memory_space<vmem>>, vector<16xf32>,
    tpu.vector_store %arg32[%swap3A_27], %mul3A_26 {strides = array<i32>} : memref<128xf32, #tpu.memory_space<vmem>>, vector<16xf32>,
    %get3A_29 = arith.constant 32 : index
    %get3A_30 = tpu.vector_load %arg31[%get3A_29] {strides = array<i32>} : memref<128xf32, #tpu.memory_space<vmem>>, vector<16xf32>,
    %get3A_31 = arith.constant 32 : index
    %get3A_32 = tpu.vector_load %arg29[%get3A_31] {strides = array<i32>} : memref<128xf32, #tpu.memory_space<vmem>>, vector<16xf32>,
    %mul3A_33 = arith.mulf %get3A_30, %get3A_32 : vector<16xf32>
    %swap3A_34 = arith.constant 32 : index
    %swap3A_35 = tpu.vector_load %arg31[%swap3A_34] {strides = array<i32>} : memref<128xf32, #tpu.memory_space<vmem>>, vector<16xf32>,
    tpu.vector_store %arg31[%swap3A_34], %mul3A_33 {strides = array<i32>} : memref<128xf32, #tpu.memory_space<vmem>>, vector<16xf32>,
    %get3A_36 = arith.constant 32 : index
    %get3A_37 = tpu.vector_load %arg32[%get3A_36] {strides = array<i32>} : memref<128xf32, #tpu.memory_space<vmem>>, vector<16xf32>,
    %get3A_38 = arith.constant 32 : index
    %get3A_39 = tpu.vector_load %arg30[%get3A_38] {strides = array<i32>} : memref<128xf32, #tpu.memory_space<vmem>>, vector<16xf32>,
    %mul3A_40 = arith.mulf %get3A_37, %get3A_39 : vector<16xf32>
    %swap3A_41 = arith.constant 32 : index
    %swap3A_42 = tpu.vector_load %arg32[%swap3A_41] {strides = array<i32>} : memref<128xf32, #tpu.memory_space<vmem>>, vector<16xf32>,
    tpu.vector_store %arg32[%swap3A_41], %mul3A_40 {strides = array<i32>} : memref<128xf32, #tpu.memory_space<vmem>>, vector<16xf32>,
    %get3A_43 = arith.constant 48 : index
    %get3A_44 = tpu.vector_load %arg31[%get3A_43] {strides = array<i32>} : memref<128xf32, #tpu.memory_space<vmem>>, vector<16xf32>,
    %get3A_45 = arith.constant 48 : index
    %get3A_46 = tpu.vector_load %arg29[%get3A_45] {strides = array<i32>} : memref<128xf32, #tpu.memory_space<vmem>>, vector<16xf32>,
    %mul3A_47 = arith.mulf %get3A_44, %get3A_46 : vector<16xf32>
    %swap3A_48 = arith.constant 48 : index
    %swap3A_49 = tpu.vector_load %arg31[%swap3A_48] {strides = array<i32>} : memref<128xf32, #tpu.memory_space<vmem>>, vector<16xf32>,
    tpu.vector_store %arg31[%swap3A_48], %mul3A_47 {strides = array<i32>} : memref<128xf32, #tpu.memory_space<vmem>>, vector<16xf32>,
    %get3A_50 = arith.constant 48 : index
    %get3A_51 = tpu.vector_load %arg32[%get3A_50] {strides = array<i32>} : memref<128xf32, #tpu.memory_space<vmem>>, vector<16xf32>,
    %get3A_52 = arith.constant 48 : index
    %get3A_53 = tpu.vector_load %arg30[%get3A_52] {strides = array<i32>} : memref<128xf32, #tpu.memory_space<vmem>>, vector<16xf32>,
    %mul3A_54 = arith.mulf %get3A_51, %get3A_53 : vector<16xf32>
    %swap3A_55 = arith.constant 48 : index
    %swap3A_56 = tpu.vector_load %arg32[%swap3A_55] {strides = array<i32>} : memref<128xf32, #tpu.memory_space<vmem>>, vector<16xf32>,
    tpu.vector_store %arg32[%swap3A_55], %mul3A_54 {strides = array<i32>} : memref<128xf32, #tpu.memory_space<vmem>>, vector<16xf32>,
    %get3A_57 = arith.constant 64 : index
    %get3A_58 = tpu.vector_load %arg31[%get3A_57] {strides = array<i32>} : memref<128xf32, #tpu.memory_space<vmem>>, vector<16xf32>,
    %get3A_59 = arith.constant 64 : index
    %get3A_60 = tpu.vector_load %arg29[%get3A_59] {strides = array<i32>} : memref<128xf32, #tpu.memory_space<vmem>>, vector<16xf32>,
    %mul3A_61 = arith.mulf %get3A_58, %get3A_60 : vector<16xf32>
    %swap3A_62 = arith.constant 64 : index
    %swap3A_63 = tpu.vector_load %arg31[%swap3A_62] {strides = array<i32>} : memref<128xf32, #tpu.memory_space<vmem>>, vector<16xf32>,
    tpu.vector_store %arg31[%swap3A_62], %mul3A_61 {strides = array<i32>} : memref<128xf32, #tpu.memory_space<vmem>>, vector<16xf32>,
    %get3A_64 = arith.constant 64 : index
    %get3A_65 = tpu.vector_load %arg32[%get3A_64] {strides = array<i32>} : memref<128xf32, #tpu.memory_space<vmem>>, vector<16xf32>,
    %get3A_66 = arith.constant 64 : index
    %get3A_67 = tpu.vector_load %arg30[%get3A_66] {strides = array<i32>} : memref<128xf32, #tpu.memory_space<vmem>>, vector<16xf32>,
    %mul3A_68 = arith.mulf %get3A_65, %get3A_67 : vector<16xf32>
    %swap3A_69 = arith.constant 64 : index
    %swap3A_70 = tpu.vector_load %arg32[%swap3A_69] {strides = array<i32>} : memref<128xf32, #tpu.memory_space<vmem>>, vector<16xf32>,
    tpu.vector_store %arg32[%swap3A_69], %mul3A_68 {strides = array<i32>} : memref<128xf32, #tpu.memory_space<vmem>>, vector<16xf32>,
    %get3A_71 = arith.constant 80 : index
    %get3A_72 = tpu.vector_load %arg31[%get3A_71] {strides = array<i32>} : memref<128xf32, #tpu.memory_space<vmem>>, vector<16xf32>,
    %get3A_73 = arith.constant 80 : index
    %get3A_74 = tpu.vector_load %arg29[%get3A_73] {strides = array<i32>} : memref<128xf32, #tpu.memory_space<vmem>>, vector<16xf32>,
    %mul3A_75 = arith.mulf %get3A_72, %get3A_74 : vector<16xf32>
    %swap3A_76 = arith.constant 80 : index
    %swap3A_77 = tpu.vector_load %arg31[%swap3A_76] {strides = array<i32>} : memref<128xf32, #tpu.memory_space<vmem>>, vector<16xf32>,
    tpu.vector_store %arg31[%swap3A_76], %mul3A_75 {strides = array<i32>} : memref<128xf32, #tpu.memory_space<vmem>>, vector<16xf32>,
    %get3A_78 = arith.constant 80 : index
    %get3A_79 = tpu.vector_load %arg32[%get3A_78] {strides = array<i32>} : memref<128xf32, #tpu.memory_space<vmem>>, vector<16xf32>,
    %get3A_80 = arith.constant 80 : index
    %get3A_81 = tpu.vector_load %arg30[%get3A_80] {strides = array<i32>} : memref<128xf32, #tpu.memory_space<vmem>>, vector<16xf32>,
    %mul3A_82 = arith.mulf %get3A_79, %get3A_81 : vector<16xf32>
    %swap3A_83 = arith.constant 80 : index
    %swap3A_84 = tpu.vector_load %arg32[%swap3A_83] {strides = array<i32>} : memref<128xf32, #tpu.memory_space<vmem>>, vector<16xf32>,
    tpu.vector_store %arg32[%swap3A_83], %mul3A_82 {strides = array<i32>} : memref<128xf32, #tpu.memory_space<vmem>>, vector<16xf32>,
    %get3A_85 = arith.constant 96 : index
    %get3A_86 = tpu.vector_load %arg31[%get3A_85] {strides = array<i32>} : memref<128xf32, #tpu.memory_space<vmem>>, vector<16xf32>,
    %get3A_87 = arith.constant 96 : index
    %get3A_88 = tpu.vector_load %arg29[%get3A_87] {strides = array<i32>} : memref<128xf32, #tpu.memory_space<vmem>>, vector<16xf32>,
    %mul3A_89 = arith.mulf %get3A_86, %get3A_88 : vector<16xf32>
    %swap3A_90 = arith.constant 96 : index
    %swap3A_91 = tpu.vector_load %arg31[%swap3A_90] {strides = array<i32>} : memref<128xf32, #tpu.memory_space<vmem>>, vector<16xf32>,
    tpu.vector_store %arg31[%swap3A_90], %mul3A_89 {strides = array<i32>} : memref<128xf32, #tpu.memory_space<vmem>>, vector<16xf32>,
    %get3A_92 = arith.constant 96 : index
    %get3A_93 = tpu.vector_load %arg32[%get3A_92] {strides = array<i32>} : memref<128xf32, #tpu.memory_space<vmem>>, vector<16xf32>,
    %get3A_94 = arith.constant 96 : index
    %get3A_95 = tpu.vector_load %arg30[%get3A_94] {strides = array<i32>} : memref<128xf32, #tpu.memory_space<vmem>>, vector<16xf32>,
    %mul3A_96 = arith.mulf %get3A_93, %get3A_95 : vector<16xf32>
    %swap3A_97 = arith.constant 96 : index
    %swap3A_98 = tpu.vector_load %arg32[%swap3A_97] {strides = array<i32>} : memref<128xf32, #tpu.memory_space<vmem>>, vector<16xf32>,
    tpu.vector_store %arg32[%swap3A_97], %mul3A_96 {strides = array<i32>} : memref<128xf32, #tpu.memory_space<vmem>>, vector<16xf32>,
    %get3A_99 = arith.constant 112 : index
    %get3A_100 = tpu.vector_load %arg31[%get3A_99] {strides = array<i32>} : memref<128xf32, #tpu.memory_space<vmem>>, vector<16xf32>,
    %get3A_101 = arith.constant 112 : index
    %get3A_102 = tpu.vector_load %arg29[%get3A_101] {strides = array<i32>} : memref<128xf32, #tpu.memory_space<vmem>>, vector<16xf32>,
    %mul3A_103 = arith.mulf %get3A_100, %get3A_102 : vector<16xf32>
    %swap3A_104 = arith.constant 112 : index
    %swap3A_105 = tpu.vector_load %arg31[%swap3A_104] {strides = array<i32>} : memref<128xf32, #tpu.memory_space<vmem>>, vector<16xf32>,
    tpu.vector_store %arg31[%swap3A_104], %mul3A_103 {strides = array<i32>} : memref<128xf32, #tpu.memory_space<vmem>>, vector<16xf32>,
    %get3A_106 = arith.constant 112 : index
    %get3A_107 = tpu.vector_load %arg32[%get3A_106] {strides = array<i32>} : memref<128xf32, #tpu.memory_space<vmem>>, vector<16xf32>,
    %get3A_108 = arith.constant 112 : index
    %get3A_109 = tpu.vector_load %arg30[%get3A_108] {strides = array<i32>} : memref<128xf32, #tpu.memory_space<vmem>>, vector<16xf32>,
    %mul3A_110 = arith.mulf %get3A_107, %get3A_109 : vector<16xf32>
    %swap3A_111 = arith.constant 112 : index
    %swap3A_112 = tpu.vector_load %arg32[%swap3A_111] {strides = array<i32>} : memref<128xf32, #tpu.memory_space<vmem>>, vector<16xf32>,
    tpu.vector_store %arg32[%swap3A_111], %mul3A_110 {strides = array<i32>} : memref<128xf32, #tpu.memory_space<vmem>>, vector<16xf32>,
    "tpu.region"() ({
      %run_scoped3A = tpu.sem_alloc : memref<!tpu.dma_semaphore, #tpu.memory_space<semaphore_mem>>
      %dma_start3A_372 = tpu.memref_slice %arg13[%mul3A_2] : memref<4096xf32, #tpu.memory_space<hbm>> -> memref<128xf32, #tpu.memory_space<hbm>>
      %dma_start3A_373 = tpu.memref_slice %arg13[%mul3A_2] : memref<4096xf32, #tpu.memory_space<hbm>> -> memref<128xf32, #tpu.memory_space<hbm>>
      tpu.enqueue_dma source(%arg31 : memref<128xf32, #tpu.memory_space<vmem>>) target(%dma_start3A_373 : memref<128xf32, #tpu.memory_space<hbm>>) target_semaphore(%run_scoped3A : memref<!tpu.dma_semaphore, #tpu.memory_space<semaphore_mem>>)
      %dma_wait3A_374 = tpu.memref_slice %arg13[%mul3A_2] : memref<4096xf32, #tpu.memory_space<hbm>> -> memref<128xf32, #tpu.memory_space<hbm>>
      %dma_wait3A_375 = tpu.memref_slice %arg13[%mul3A_2] : memref<4096xf32, #tpu.memory_space<hbm>> -> memref<128xf32, #tpu.memory_space<hbm>>
      tpu.wait_dma2 semaphore(%run_scoped3A : memref<!tpu.dma_semaphore, #tpu.memory_space<semaphore_mem>>) src(%arg31 : memref<128xf32, #tpu.memory_space<vmem>>) dst(%dma_wait3A_375 : memref<128xf32, #tpu.memory_space<hbm>>)
      tpu.yield
    }) : () -> ()
    "tpu.region"() ({
      %run_scoped3A = tpu.sem_alloc : memref<!tpu.dma_semaphore, #tpu.memory_space<semaphore_mem>>
      %dma_start3A_372 = tpu.memref_slice %arg14[%mul3A_2] : memref<4096xf32, #tpu.memory_space<hbm>> -> memref<128xf32, #tpu.memory_space<hbm>>
      %dma_start3A_373 = tpu.memref_slice %arg14[%mul3A_2] : memref<4096xf32, #tpu.memory_space<hbm>> -> memref<128xf32, #tpu.memory_space<hbm>>
      tpu.enqueue_dma source(%arg32 : memref<128xf32, #tpu.memory_space<vmem>>) target(%dma_start3A_373 : memref<128xf32, #tpu.memory_space<hbm>>) target_semaphore(%run_scoped3A : memref<!tpu.dma_semaphore, #tpu.memory_space<semaphore_mem>>)
      %dma_wait3A_374 = tpu.memref_slice %arg14[%mul3A_2] : memref<4096xf32, #tpu.memory_space<hbm>> -> memref<128xf32, #tpu.memory_space<hbm>>
      %dma_wait3A_375 = tpu.memref_slice %arg14[%mul3A_2] : memref<4096xf32, #tpu.memory_space<hbm>> -> memref<128xf32, #tpu.memory_space<hbm>>
      tpu.wait_dma2 semaphore(%run_scoped3A : memref<!tpu.dma_semaphore, #tpu.memory_space<semaphore_mem>>) src(%arg32 : memref<128xf32, #tpu.memory_space<vmem>>) dst(%dma_wait3A_375 : memref<128xf32, #tpu.memory_space<hbm>>)
      tpu.yield
    }) : () -> ()
    %iota3A = tpu.iota {dimensions = array<i32: 0>} : vector<16xi32>
    %jit3A = arith.constant 0 : i32
    %jit3A_113 = arith.constant 2 : i32
    %div3A = arith.divsi %jit3A, %jit3A_113 : i32
    %sign3A = arith.constant 0 : i32
    %sign3A_114 = arith.cmpi sgt, %jit3A, %sign3A : i32
    %sign3A_115 = arith.extui %sign3A_114 : i1 to i32
    %sign3A_116 = arith.constant 0 : i32
    %sign3A_117 = arith.cmpi slt, %jit3A, %sign3A_116 : i32
    %sign3A_118 = arith.extui %sign3A_117 : i1 to i32
    %sign3A_119 = arith.subi %sign3A_115, %sign3A_118 : i32
    %sign3A_120 = arith.constant 0 : i32
    %sign3A_121 = arith.cmpi sgt, %jit3A_113, %sign3A_120 : i32
    %sign3A_122 = arith.extui %sign3A_121 : i1 to i32
    %sign3A_123 = arith.constant 0 : i32
    %sign3A_124 = arith.cmpi slt, %jit3A_113, %sign3A_123 : i32
    %sign3A_125 = arith.extui %sign3A_124 : i1 to i32
    %sign3A_126 = arith.subi %sign3A_122, %sign3A_125 : i32
    %ne3A = arith.cmpi ne, %sign3A_119, %sign3A_126 : i32
    %rem3A = arith.remsi %jit3A, %jit3A_113 : i32
    %ne3A_127 = arith.constant 0 : i32
    %ne3A_128 = arith.cmpi ne, %rem3A, %ne3A_127 : i32
    %and3A = arith.andi %ne3A, %ne3A_128 : i1
    %sub3A = arith.constant 1 : i32
    %sub3A_129 = arith.subi %div3A, %sub3A : i32
    %select_n3A = arith.select %and3A, %sub3A_129, %div3A : i32
    %jit3A_130 = arith.constant 0 : i32
    %jit3A_131 = arith.constant 2 : i32
    %eq3A = arith.constant 0 : i32
    %eq3A_132 = arith.cmpi eq, %jit3A_131, %eq3A : i32
    %jit3A_133 = arith.constant 1 : i32
    %select_n3A_134 = arith.select %eq3A_132, %jit3A_133, %jit3A_131 : i32
    %rem3A_135 = arith.remsi %jit3A_130, %select_n3A_134 : i32
    %ne3A_136 = arith.constant 0 : i32
    %ne3A_137 = arith.cmpi ne, %rem3A_135, %ne3A_136 : i32
    %lt3A = arith.constant 0 : i32
    %lt3A_138 = arith.cmpi slt, %rem3A_135, %lt3A : i32
    %lt3A_139 = arith.constant 0 : i32
    %lt3A_140 = arith.cmpi slt, %select_n3A_134, %lt3A_139 : i32
    %ne3A_141 = arith.xori %lt3A_138, %lt3A_140 : i1
    %and3A_142 = arith.andi %ne3A_141, %ne3A_137 : i1
    %add3A_143 = arith.addi %rem3A_135, %select_n3A_134 : i32
    %select_n3A_144 = arith.select %and3A_142, %add3A_143, %rem3A_135 : i32
    %mul3A_145 = arith.constant 64 : i32
    %mul3A_146 = arith.muli %select_n3A_144, %mul3A_145 : i32
    %add3A_147 = arith.addi %mul3A_2, %select_n3A : i32
    %mul3A_148 = arith.constant 128 : i32
    %mul3A_149 = arith.muli %add3A_147, %mul3A_148 : i32
    %add3A_150 = arith.addi %mul3A_149, %mul3A_146 : i32
    %multiple_of3A = tpu.assume_multiple %add3A_150, 64 : i32
    %jit3A_151 = arith.constant 16 : i32
    %div3A_152 = arith.divsi %select_n3A, %jit3A_151 : i32
    %sign3A_153 = arith.constant 0 : i32
    %sign3A_154 = arith.cmpi sgt, %select_n3A, %sign3A_153 : i32
    %sign3A_155 = arith.extui %sign3A_154 : i1 to i32
    %sign3A_156 = arith.constant 0 : i32
    %sign3A_157 = arith.cmpi slt, %select_n3A, %sign3A_156 : i32
    %sign3A_158 = arith.extui %sign3A_157 : i1 to i32
    %sign3A_159 = arith.subi %sign3A_155, %sign3A_158 : i32
    %sign3A_160 = arith.constant 0 : i32
    %sign3A_161 = arith.cmpi sgt, %jit3A_151, %sign3A_160 : i32
    %sign3A_162 = arith.extui %sign3A_161 : i1 to i32
    %sign3A_163 = arith.constant 0 : i32
    %sign3A_164 = arith.cmpi slt, %jit3A_151, %sign3A_163 : i32
    %sign3A_165 = arith.extui %sign3A_164 : i1 to i32
    %sign3A_166 = arith.subi %sign3A_162, %sign3A_165 : i32
    %ne3A_167 = arith.cmpi ne, %sign3A_159, %sign3A_166 : i32
    %rem3A_168 = arith.remsi %select_n3A, %jit3A_151 : i32
    %ne3A_169 = arith.constant 0 : i32
    %ne3A_170 = arith.cmpi ne, %rem3A_168, %ne3A_169 : i32
    %and3A_171 = arith.andi %ne3A_167, %ne3A_170 : i1
    %sub3A_172 = arith.constant 1 : i32
    %sub3A_173 = arith.subi %div3A_152, %sub3A_172 : i32
    %select_n3A_174 = arith.select %and3A_171, %sub3A_173, %div3A_152 : i32
    %mul3A_175 = arith.constant 16 : i32
    %mul3A_176 = arith.muli %select_n3A_174, %mul3A_175 : i32
    %multiple_of3A_177 = tpu.assume_multiple %mul3A_176, 16 : i32
    %get3A_178 = arith.index_cast %multiple_of3A_177 : i32 to index
    %get3A_179 = tpu.vector_load %arg27[%get3A_178] {strides = array<i32>} : memref<128xi32, #tpu.memory_space<vmem>>, vector<16xi32>,
    %jit3A_180 = arith.constant 16 : i32
    %eq3A_181 = arith.constant 0 : i32
    %eq3A_182 = arith.cmpi eq, %jit3A_180, %eq3A_181 : i32
    %jit3A_183 = arith.constant 1 : i32
    %select_n3A_184 = arith.select %eq3A_182, %jit3A_183, %jit3A_180 : i32
    %rem3A_185 = arith.remsi %select_n3A, %select_n3A_184 : i32
    %ne3A_186 = arith.constant 0 : i32
    %ne3A_187 = arith.cmpi ne, %rem3A_185, %ne3A_186 : i32
    %lt3A_188 = arith.constant 0 : i32
    %lt3A_189 = arith.cmpi slt, %rem3A_185, %lt3A_188 : i32
    %lt3A_190 = arith.constant 0 : i32
    %lt3A_191 = arith.cmpi slt, %select_n3A_184, %lt3A_190 : i32
    %ne3A_192 = arith.xori %lt3A_189, %lt3A_191 : i1
    %and3A_193 = arith.andi %ne3A_192, %ne3A_187 : i1
    %add3A_194 = arith.addi %rem3A_185, %select_n3A_184 : i32
    %select_n3A_195 = arith.select %and3A_193, %add3A_194, %rem3A_185 : i32
    %eq3A_196 = vector.broadcast %select_n3A_195 : i32 to vector<16xi32>
    %eq3A_197 = arith.cmpi eq, %iota3A, %eq3A_196 : vector<16xi32>
    %jit3A_198 = arith.constant 0 : i32
    %broadcast_in_dim3A = vector.broadcast %jit3A_198 : i32 to vector<16xi32>
    %select_n3A_199 = arith.select %eq3A_197, %get3A_179, %broadcast_in_dim3A : vector<16xi1>, vector<16xi32>
    %reduce_sum3A = arith.constant true
    %reduce_sum3A_200 = vector.broadcast %reduce_sum3A : i1 to vector<16xi1>
    %reduce_sum3A_201 = tpu.scan <sum>, %select_n3A_199 masked %reduce_sum3A_200 : vector<16xi32>, vector<16xi1> -> vector<16xi32>
    %reduce_sum3A_202 = vector.extract %reduce_sum3A_201[15] : i32 from vector<16xi32>
    %add3A_203 = arith.addi %mul3A_2, %select_n3A : i32
    %mul3A_204 = arith.constant 128 : i32
    %mul3A_205 = arith.muli %add3A_203, %mul3A_204 : i32
    %and3A_206 = arith.constant 64 : i32
    %and3A_207 = arith.andi %reduce_sum3A_202, %and3A_206 : i32
    %xor3A = arith.xori %mul3A_146, %and3A_207 : i32
    %add3A_208 = arith.addi %mul3A_205, %xor3A : i32
    %multiple_of3A_209 = tpu.assume_multiple %add3A_208, 64 : i32
    %dma_start3A = arith.constant 0 : i32
    %dma_start3A_210 = tpu.memref_slice %arg2[%multiple_of3A_209, %dma_start3A] : memref<524288x128xf32, #tpu.memory_space<hbm>> -> memref<64x128xf32, #tpu.memory_space<hbm>>
    %dma_start3A_211 = arith.constant 0 : i32
    %dma_start3A_212 = tpu.memref_slice %arg2[%multiple_of3A_209, %dma_start3A_211] : memref<524288x128xf32, #tpu.memory_space<hbm>> -> memref<64x128xf32, #tpu.memory_space<hbm>>
    tpu.enqueue_dma source(%dma_start3A_212 : memref<64x128xf32, #tpu.memory_space<hbm>>) target(%arg16 : memref<64x128xf32, #tpu.memory_space<vmem>>) target_semaphore(%arg33 : memref<!tpu.dma_semaphore, #tpu.memory_space<semaphore_mem>>)
    %dma_start3A_213 = arith.constant 0 : i32
    %dma_start3A_214 = tpu.memref_slice %arg5[%multiple_of3A_209, %dma_start3A_213] : memref<524288x128xf32, #tpu.memory_space<hbm>> -> memref<64x128xf32, #tpu.memory_space<hbm>>
    %dma_start3A_215 = arith.constant 0 : i32
    %dma_start3A_216 = tpu.memref_slice %arg5[%multiple_of3A_209, %dma_start3A_215] : memref<524288x128xf32, #tpu.memory_space<hbm>> -> memref<64x128xf32, #tpu.memory_space<hbm>>
    tpu.enqueue_dma source(%dma_start3A_216 : memref<64x128xf32, #tpu.memory_space<hbm>>) target(%arg20 : memref<64x128xf32, #tpu.memory_space<vmem>>) target_semaphore(%arg37 : memref<!tpu.dma_semaphore, #tpu.memory_space<semaphore_mem>>)
    %dma_start3A_217 = arith.constant 0 : i32
    %dma_start3A_218 = tpu.memref_slice %arg6[%multiple_of3A, %dma_start3A_217] : memref<524288x128xf32, #tpu.memory_space<hbm>> -> memref<64x128xf32, #tpu.memory_space<hbm>>
    %dma_start3A_219 = arith.constant 0 : i32
    %dma_start3A_220 = tpu.memref_slice %arg6[%multiple_of3A, %dma_start3A_219] : memref<524288x128xf32, #tpu.memory_space<hbm>> -> memref<64x128xf32, #tpu.memory_space<hbm>>
    tpu.enqueue_dma source(%dma_start3A_220 : memref<64x128xf32, #tpu.memory_space<hbm>>) target(%arg18 : memref<64x128xf32, #tpu.memory_space<vmem>>) target_semaphore(%arg35 : memref<!tpu.dma_semaphore, #tpu.memory_space<semaphore_mem>>)
    %jit3A_221 = arith.constant 1 : i32
    %jit3A_222 = arith.constant 2 : i32
    %div3A_223 = arith.divsi %jit3A_221, %jit3A_222 : i32
    %sign3A_224 = arith.constant 0 : i32
    %sign3A_225 = arith.cmpi sgt, %jit3A_221, %sign3A_224 : i32
    %sign3A_226 = arith.extui %sign3A_225 : i1 to i32
    %sign3A_227 = arith.constant 0 : i32
    %sign3A_228 = arith.cmpi slt, %jit3A_221, %sign3A_227 : i32
    %sign3A_229 = arith.extui %sign3A_228 : i1 to i32
    %sign3A_230 = arith.subi %sign3A_226, %sign3A_229 : i32
    %sign3A_231 = arith.constant 0 : i32
    %sign3A_232 = arith.cmpi sgt, %jit3A_222, %sign3A_231 : i32
    %sign3A_233 = arith.extui %sign3A_232 : i1 to i32
    %sign3A_234 = arith.constant 0 : i32
    %sign3A_235 = arith.cmpi slt, %jit3A_222, %sign3A_234 : i32
    %sign3A_236 = arith.extui %sign3A_235 : i1 to i32
    %sign3A_237 = arith.subi %sign3A_233, %sign3A_236 : i32
    %ne3A_238 = arith.cmpi ne, %sign3A_230, %sign3A_237 : i32
    %rem3A_239 = arith.remsi %jit3A_221, %jit3A_222 : i32
    %ne3A_240 = arith.constant 0 : i32
    %ne3A_241 = arith.cmpi ne, %rem3A_239, %ne3A_240 : i32
    %and3A_242 = arith.andi %ne3A_238, %ne3A_241 : i1
    %sub3A_243 = arith.constant 1 : i32
    %sub3A_244 = arith.subi %div3A_223, %sub3A_243 : i32
    %select_n3A_245 = arith.select %and3A_242, %sub3A_244, %div3A_223 : i32
    %jit3A_246 = arith.constant 1 : i32
    %jit3A_247 = arith.constant 2 : i32
    %eq3A_248 = arith.constant 0 : i32
    %eq3A_249 = arith.cmpi eq, %jit3A_247, %eq3A_248 : i32
    %jit3A_250 = arith.constant 1 : i32
    %select_n3A_251 = arith.select %eq3A_249, %jit3A_250, %jit3A_247 : i32
    %rem3A_252 = arith.remsi %jit3A_246, %select_n3A_251 : i32
    %ne3A_253 = arith.constant 0 : i32
    %ne3A_254 = arith.cmpi ne, %rem3A_252, %ne3A_253 : i32
    %lt3A_255 = arith.constant 0 : i32
    %lt3A_256 = arith.cmpi slt, %rem3A_252, %lt3A_255 : i32
    %lt3A_257 = arith.constant 0 : i32
    %lt3A_258 = arith.cmpi slt, %select_n3A_251, %lt3A_257 : i32
    %ne3A_259 = arith.xori %lt3A_256, %lt3A_258 : i1
    %and3A_260 = arith.andi %ne3A_259, %ne3A_254 : i1
    %add3A_261 = arith.addi %rem3A_252, %select_n3A_251 : i32
    %select_n3A_262 = arith.select %and3A_260, %add3A_261, %rem3A_252 : i32
    %mul3A_263 = arith.constant 64 : i32
    %mul3A_264 = arith.muli %select_n3A_262, %mul3A_263 : i32
    %add3A_265 = arith.addi %mul3A_2, %select_n3A_245 : i32
    %mul3A_266 = arith.constant 128 : i32
    %mul3A_267 = arith.muli %add3A_265, %mul3A_266 : i32
    %add3A_268 = arith.addi %mul3A_267, %mul3A_264 : i32
    %multiple_of3A_269 = tpu.assume_multiple %add3A_268, 64 : i32
    %jit3A_270 = arith.constant 16 : i32
    %div3A_271 = arith.divsi %select_n3A_245, %jit3A_270 : i32
    %sign3A_272 = arith.constant 0 : i32
    %sign3A_273 = arith.cmpi sgt, %select_n3A_245, %sign3A_272 : i32
    %sign3A_274 = arith.extui %sign3A_273 : i1 to i32
    %sign3A_275 = arith.constant 0 : i32
    %sign3A_276 = arith.cmpi slt, %select_n3A_245, %sign3A_275 : i32
    %sign3A_277 = arith.extui %sign3A_276 : i1 to i32
    %sign3A_278 = arith.subi %sign3A_274, %sign3A_277 : i32
    %sign3A_279 = arith.constant 0 : i32
    %sign3A_280 = arith.cmpi sgt, %jit3A_270, %sign3A_279 : i32
    %sign3A_281 = arith.extui %sign3A_280 : i1 to i32
    %sign3A_282 = arith.constant 0 : i32
    %sign3A_283 = arith.cmpi slt, %jit3A_270, %sign3A_282 : i32
    %sign3A_284 = arith.extui %sign3A_283 : i1 to i32
    %sign3A_285 = arith.subi %sign3A_281, %sign3A_284 : i32
    %ne3A_286 = arith.cmpi ne, %sign3A_278, %sign3A_285 : i32
    %rem3A_287 = arith.remsi %select_n3A_245, %jit3A_270 : i32
    %ne3A_288 = arith.constant 0 : i32
    %ne3A_289 = arith.cmpi ne, %rem3A_287, %ne3A_288 : i32
    %and3A_290 = arith.andi %ne3A_286, %ne3A_289 : i1
    %sub3A_291 = arith.constant 1 : i32
    %sub3A_292 = arith.subi %div3A_271, %sub3A_291 : i32
    %select_n3A_293 = arith.select %and3A_290, %sub3A_292, %div3A_271 : i32
    %mul3A_294 = arith.constant 16 : i32
    %mul3A_295 = arith.muli %select_n3A_293, %mul3A_294 : i32
    %multiple_of3A_296 = tpu.assume_multiple %mul3A_295, 16 : i32
    %get3A_297 = arith.index_cast %multiple_of3A_296 : i32 to index
    %get3A_298 = tpu.vector_load %arg27[%get3A_297] {strides = array<i32>} : memref<128xi32, #tpu.memory_space<vmem>>, vector<16xi32>,
    %jit3A_299 = arith.constant 16 : i32
    %eq3A_300 = arith.constant 0 : i32
    %eq3A_301 = arith.cmpi eq, %jit3A_299, %eq3A_300 : i32
    %jit3A_302 = arith.constant 1 : i32
    %select_n3A_303 = arith.select %eq3A_301, %jit3A_302, %jit3A_299 : i32
    %rem3A_304 = arith.remsi %select_n3A_245, %select_n3A_303 : i32
    %ne3A_305 = arith.constant 0 : i32
    %ne3A_306 = arith.cmpi ne, %rem3A_304, %ne3A_305 : i32
    %lt3A_307 = arith.constant 0 : i32
    %lt3A_308 = arith.cmpi slt, %rem3A_304, %lt3A_307 : i32
    %lt3A_309 = arith.constant 0 : i32
    %lt3A_310 = arith.cmpi slt, %select_n3A_303, %lt3A_309 : i32
    %ne3A_311 = arith.xori %lt3A_308, %lt3A_310 : i1
    %and3A_312 = arith.andi %ne3A_311, %ne3A_306 : i1
    %add3A_313 = arith.addi %rem3A_304, %select_n3A_303 : i32
    %select_n3A_314 = arith.select %and3A_312, %add3A_313, %rem3A_304 : i32
    %eq3A_315 = vector.broadcast %select_n3A_314 : i32 to vector<16xi32>
    %eq3A_316 = arith.cmpi eq, %iota3A, %eq3A_315 : vector<16xi32>
    %jit3A_317 = arith.constant 0 : i32
    %broadcast_in_dim3A_318 = vector.broadcast %jit3A_317 : i32 to vector<16xi32>
    %select_n3A_319 = arith.select %eq3A_316, %get3A_298, %broadcast_in_dim3A_318 : vector<16xi1>, vector<16xi32>
    %reduce_sum3A_320 = arith.constant true
    %reduce_sum3A_321 = vector.broadcast %reduce_sum3A_320 : i1 to vector<16xi1>
    %reduce_sum3A_322 = tpu.scan <sum>, %select_n3A_319 masked %reduce_sum3A_321 : vector<16xi32>, vector<16xi1> -> vector<16xi32>
    %reduce_sum3A_323 = vector.extract %reduce_sum3A_322[15] : i32 from vector<16xi32>
    %add3A_324 = arith.addi %mul3A_2, %select_n3A_245 : i32
    %mul3A_325 = arith.constant 128 : i32
    %mul3A_326 = arith.muli %add3A_324, %mul3A_325 : i32
    %and3A_327 = arith.constant 64 : i32
    %and3A_328 = arith.andi %reduce_sum3A_323, %and3A_327 : i32
    %xor3A_329 = arith.xori %mul3A_264, %and3A_328 : i32
    %add3A_330 = arith.addi %mul3A_326, %xor3A_329 : i32
    %multiple_of3A_331 = tpu.assume_multiple %add3A_330, 64 : i32
    %dma_start3A_332 = arith.constant 0 : i32
    %dma_start3A_333 = tpu.memref_slice %arg2[%multiple_of3A_331, %dma_start3A_332] : memref<524288x128xf32, #tpu.memory_space<hbm>> -> memref<64x128xf32, #tpu.memory_space<hbm>>
    %dma_start3A_334 = arith.constant 0 : i32
    %dma_start3A_335 = tpu.memref_slice %arg2[%multiple_of3A_331, %dma_start3A_334] : memref<524288x128xf32, #tpu.memory_space<hbm>> -> memref<64x128xf32, #tpu.memory_space<hbm>>
    tpu.enqueue_dma source(%dma_start3A_335 : memref<64x128xf32, #tpu.memory_space<hbm>>) target(%arg17 : memref<64x128xf32, #tpu.memory_space<vmem>>) target_semaphore(%arg34 : memref<!tpu.dma_semaphore, #tpu.memory_space<semaphore_mem>>)
    %dma_start3A_336 = arith.constant 0 : i32
    %dma_start3A_337 = tpu.memref_slice %arg5[%multiple_of3A_331, %dma_start3A_336] : memref<524288x128xf32, #tpu.memory_space<hbm>> -> memref<64x128xf32, #tpu.memory_space<hbm>>
    %dma_start3A_338 = arith.constant 0 : i32
    %dma_start3A_339 = tpu.memref_slice %arg5[%multiple_of3A_331, %dma_start3A_338] : memref<524288x128xf32, #tpu.memory_space<hbm>> -> memref<64x128xf32, #tpu.memory_space<hbm>>
    tpu.enqueue_dma source(%dma_start3A_339 : memref<64x128xf32, #tpu.memory_space<hbm>>) target(%arg21 : memref<64x128xf32, #tpu.memory_space<vmem>>) target_semaphore(%arg38 : memref<!tpu.dma_semaphore, #tpu.memory_space<semaphore_mem>>)
    %dma_start3A_340 = arith.constant 0 : i32
    %dma_start3A_341 = tpu.memref_slice %arg6[%multiple_of3A_269, %dma_start3A_340] : memref<524288x128xf32, #tpu.memory_space<hbm>> -> memref<64x128xf32, #tpu.memory_space<hbm>>
    %dma_start3A_342 = arith.constant 0 : i32
    %dma_start3A_343 = tpu.memref_slice %arg6[%multiple_of3A_269, %dma_start3A_342] : memref<524288x128xf32, #tpu.memory_space<hbm>> -> memref<64x128xf32, #tpu.memory_space<hbm>>
    tpu.enqueue_dma source(%dma_start3A_343 : memref<64x128xf32, #tpu.memory_space<hbm>>) target(%arg19 : memref<64x128xf32, #tpu.memory_space<vmem>>) target_semaphore(%arg36 : memref<!tpu.dma_semaphore, #tpu.memory_space<semaphore_mem>>)
    %scan3A = arith.constant 0 : i32
    %scan3A_344 = arith.constant 0 : i32
    %scan3A_345 = arith.constant 128 : i32
    %scan3A_346 = arith.addi %scan3A_344, %scan3A_345 : i32
    %scan3A_347 = arith.constant 1 : i32
    scf.for %scan3A_372 = %scan3A_344 to %scan3A_346 step %scan3A_347  : i32 {
      %mul3A_373 = arith.constant 2 : i32
      %mul3A_374 = arith.muli %scan3A_372, %mul3A_373 : i32
      %add3A_375 = arith.constant 0 : i32
      %add3A_376 = arith.addi %mul3A_374, %add3A_375 : i32
      %dma_wait3A_377 = arith.constant 0 : i32
      %dma_wait3A_378 = arith.constant 0 : i32
      %dma_wait3A_379 = tpu.memref_slice %arg2[%dma_wait3A_377, %dma_wait3A_378] : memref<524288x128xf32, #tpu.memory_space<hbm>> -> memref<64x128xf32, #tpu.memory_space<hbm>>
      %dma_wait3A_380 = arith.constant 0 : i32
      %dma_wait3A_381 = arith.constant 0 : i32
      %dma_wait3A_382 = tpu.memref_slice %arg2[%dma_wait3A_380, %dma_wait3A_381] : memref<524288x128xf32, #tpu.memory_space<hbm>> -> memref<64x128xf32, #tpu.memory_space<hbm>>
      tpu.wait_dma2 semaphore(%arg33 : memref<!tpu.dma_semaphore, #tpu.memory_space<semaphore_mem>>) src(%dma_wait3A_382 : memref<64x128xf32, #tpu.memory_space<hbm>>) dst(%arg16 : memref<64x128xf32, #tpu.memory_space<vmem>>)
      %dma_wait3A_383 = arith.constant 0 : i32
      %dma_wait3A_384 = arith.constant 0 : i32
      %dma_wait3A_385 = tpu.memref_slice %arg5[%dma_wait3A_383, %dma_wait3A_384] : memref<524288x128xf32, #tpu.memory_space<hbm>> -> memref<64x128xf32, #tpu.memory_space<hbm>>
      %dma_wait3A_386 = arith.constant 0 : i32
      %dma_wait3A_387 = arith.constant 0 : i32
      %dma_wait3A_388 = tpu.memref_slice %arg5[%dma_wait3A_386, %dma_wait3A_387] : memref<524288x128xf32, #tpu.memory_space<hbm>> -> memref<64x128xf32, #tpu.memory_space<hbm>>
      tpu.wait_dma2 semaphore(%arg37 : memref<!tpu.dma_semaphore, #tpu.memory_space<semaphore_mem>>) src(%dma_wait3A_388 : memref<64x128xf32, #tpu.memory_space<hbm>>) dst(%arg20 : memref<64x128xf32, #tpu.memory_space<vmem>>)
      %dma_wait3A_389 = arith.constant 0 : i32
      %dma_wait3A_390 = arith.constant 0 : i32
      %dma_wait3A_391 = tpu.memref_slice %arg6[%dma_wait3A_389, %dma_wait3A_390] : memref<524288x128xf32, #tpu.memory_space<hbm>> -> memref<64x128xf32, #tpu.memory_space<hbm>>
      %dma_wait3A_392 = arith.constant 0 : i32
      %dma_wait3A_393 = arith.constant 0 : i32
      %dma_wait3A_394 = tpu.memref_slice %arg6[%dma_wait3A_392, %dma_wait3A_393] : memref<524288x128xf32, #tpu.memory_space<hbm>> -> memref<64x128xf32, #tpu.memory_space<hbm>>
      tpu.wait_dma2 semaphore(%arg35 : memref<!tpu.dma_semaphore, #tpu.memory_space<semaphore_mem>>) src(%dma_wait3A_394 : memref<64x128xf32, #tpu.memory_space<hbm>>) dst(%arg18 : memref<64x128xf32, #tpu.memory_space<vmem>>)
      %ge3A = arith.constant 2 : i32
      %ge3A_395 = arith.cmpi sge, %add3A_376, %ge3A : i32
      %convert_element_type3A = arith.extui %ge3A_395 : i1 to i32
      %cond3A = arith.constant 0 : i32
      %cond3A_396 = arith.cmpi ne, %convert_element_type3A, %cond3A : i32
      scf.if %cond3A_396 {
        %dma_wait3A_737 = arith.constant 0 : i32
        %dma_wait3A_738 = arith.constant 0 : i32
        %dma_wait3A_739 = tpu.memref_slice %arg12[%dma_wait3A_737, %dma_wait3A_738] : memref<524288x128xf32, #tpu.memory_space<hbm>> -> memref<64x128xf32, #tpu.memory_space<hbm>>
        %dma_wait3A_740 = arith.constant 0 : i32
        %dma_wait3A_741 = arith.constant 0 : i32
        %dma_wait3A_742 = tpu.memref_slice %arg12[%dma_wait3A_740, %dma_wait3A_741] : memref<524288x128xf32, #tpu.memory_space<hbm>> -> memref<64x128xf32, #tpu.memory_space<hbm>>
        tpu.wait_dma2 semaphore(%arg39 : memref<!tpu.dma_semaphore, #tpu.memory_space<semaphore_mem>>) src(%arg22 : memref<64x128xf32, #tpu.memory_space<vmem>>) dst(%dma_wait3A_742 : memref<64x128xf32, #tpu.memory_space<hbm>>)
        %dma_wait3A_743 = arith.constant 0 : i32
        %dma_wait3A_744 = arith.constant 0 : i32
        %dma_wait3A_745 = tpu.memref_slice %arg15[%dma_wait3A_743, %dma_wait3A_744] : memref<524288x128xf32, #tpu.memory_space<hbm>> -> memref<64x128xf32, #tpu.memory_space<hbm>>
        %dma_wait3A_746 = arith.constant 0 : i32
        %dma_wait3A_747 = arith.constant 0 : i32
        %dma_wait3A_748 = tpu.memref_slice %arg15[%dma_wait3A_746, %dma_wait3A_747] : memref<524288x128xf32, #tpu.memory_space<hbm>> -> memref<64x128xf32, #tpu.memory_space<hbm>>
        tpu.wait_dma2 semaphore(%arg41 : memref<!tpu.dma_semaphore, #tpu.memory_space<semaphore_mem>>) src(%arg24 : memref<64x128xf32, #tpu.memory_space<vmem>>) dst(%dma_wait3A_748 : memref<64x128xf32, #tpu.memory_space<hbm>>)
      } else {
      }
      %jit3A_397 = arith.constant 2 : i32
      %div3A_398 = arith.divsi %add3A_376, %jit3A_397 : i32
      %sign3A_399 = arith.constant 0 : i32
      %sign3A_400 = arith.cmpi sgt, %add3A_376, %sign3A_399 : i32
      %sign3A_401 = arith.extui %sign3A_400 : i1 to i32
      %sign3A_402 = arith.constant 0 : i32
      %sign3A_403 = arith.cmpi slt, %add3A_376, %sign3A_402 : i32
      %sign3A_404 = arith.extui %sign3A_403 : i1 to i32
      %sign3A_405 = arith.subi %sign3A_401, %sign3A_404 : i32
      %sign3A_406 = arith.constant 0 : i32
      %sign3A_407 = arith.cmpi sgt, %jit3A_397, %sign3A_406 : i32
      %sign3A_408 = arith.extui %sign3A_407 : i1 to i32
      %sign3A_409 = arith.constant 0 : i32
      %sign3A_410 = arith.cmpi slt, %jit3A_397, %sign3A_409 : i32
      %sign3A_411 = arith.extui %sign3A_410 : i1 to i32
      %sign3A_412 = arith.subi %sign3A_408, %sign3A_411 : i32
      %ne3A_413 = arith.cmpi ne, %sign3A_405, %sign3A_412 : i32
      %rem3A_414 = arith.remsi %add3A_376, %jit3A_397 : i32
      %ne3A_415 = arith.constant 0 : i32
      %ne3A_416 = arith.cmpi ne, %rem3A_414, %ne3A_415 : i32
      %and3A_417 = arith.andi %ne3A_413, %ne3A_416 : i1
      %sub3A_418 = arith.constant 1 : i32
      %sub3A_419 = arith.subi %div3A_398, %sub3A_418 : i32
      %select_n3A_420 = arith.select %and3A_417, %sub3A_419, %div3A_398 : i32
      %broadcast_in_dim3A_421 = vector.broadcast %select_n3A_420 : i32 to vector<16xi32>
      %gather3A = tpu.vector_load_idx %arg26[%broadcast_in_dim3A_421] : memref<128xf32, #tpu.memory_space<vmem>>[vector<16xi32>], vector<16xf32>,
      %sub3A_422 = arith.constant 1.000000e+00 : f32
      %sub3A_423 = vector.broadcast %sub3A_422 : f32 to vector<16xf32>
      %sub3A_424 = arith.subf %sub3A_423, %gather3A : vector<16xf32>
      %broadcast_in_dim3A_425 = vector.broadcast %select_n3A_420 : i32 to vector<16xi32>
      %gather3A_426 = tpu.vector_load_idx %arg28[%broadcast_in_dim3A_425] : memref<128xi32, #tpu.memory_space<vmem>>[vector<16xi32>], vector<16xi32>,
      %ne3A_427 = arith.constant 0 : i32
      %ne3A_428 = vector.broadcast %ne3A_427 : i32 to vector<16xi32>
      %ne3A_429 = arith.cmpi ne, %gather3A_426, %ne3A_428 : vector<16xi32>
      %jit3A_430 = arith.constant 16 : i32
      %div3A_431 = arith.divsi %select_n3A_420, %jit3A_430 : i32
      %sign3A_432 = arith.constant 0 : i32
      %sign3A_433 = arith.cmpi sgt, %select_n3A_420, %sign3A_432 : i32
      %sign3A_434 = arith.extui %sign3A_433 : i1 to i32
      %sign3A_435 = arith.constant 0 : i32
      %sign3A_436 = arith.cmpi slt, %select_n3A_420, %sign3A_435 : i32
      %sign3A_437 = arith.extui %sign3A_436 : i1 to i32
      %sign3A_438 = arith.subi %sign3A_434, %sign3A_437 : i32
      %sign3A_439 = arith.constant 0 : i32
      %sign3A_440 = arith.cmpi sgt, %jit3A_430, %sign3A_439 : i32
      %sign3A_441 = arith.extui %sign3A_440 : i1 to i32
      %sign3A_442 = arith.constant 0 : i32
      %sign3A_443 = arith.cmpi slt, %jit3A_430, %sign3A_442 : i32
      %sign3A_444 = arith.extui %sign3A_443 : i1 to i32
      %sign3A_445 = arith.subi %sign3A_441, %sign3A_444 : i32
      %ne3A_446 = arith.cmpi ne, %sign3A_438, %sign3A_445 : i32
      %rem3A_447 = arith.remsi %select_n3A_420, %jit3A_430 : i32
      %ne3A_448 = arith.constant 0 : i32
      %ne3A_449 = arith.cmpi ne, %rem3A_447, %ne3A_448 : i32
      %and3A_450 = arith.andi %ne3A_446, %ne3A_449 : i1
      %sub3A_451 = arith.constant 1 : i32
      %sub3A_452 = arith.subi %div3A_431, %sub3A_451 : i32
      %select_n3A_453 = arith.select %and3A_450, %sub3A_452, %div3A_431 : i32
      %mul3A_454 = arith.constant 16 : i32
      %mul3A_455 = arith.muli %select_n3A_453, %mul3A_454 : i32
      %multiple_of3A_456 = tpu.assume_multiple %mul3A_455, 16 : i32
      %get3A_457 = arith.index_cast %multiple_of3A_456 : i32 to index
      %get3A_458 = tpu.vector_load %arg27[%get3A_457] {strides = array<i32>} : memref<128xi32, #tpu.memory_space<vmem>>, vector<16xi32>,
      %jit3A_459 = arith.constant 16 : i32
      %eq3A_460 = arith.constant 0 : i32
      %eq3A_461 = arith.cmpi eq, %jit3A_459, %eq3A_460 : i32
      %jit3A_462 = arith.constant 1 : i32
      %select_n3A_463 = arith.select %eq3A_461, %jit3A_462, %jit3A_459 : i32
      %rem3A_464 = arith.remsi %select_n3A_420, %select_n3A_463 : i32
      %ne3A_465 = arith.constant 0 : i32
      %ne3A_466 = arith.cmpi ne, %rem3A_464, %ne3A_465 : i32
      %lt3A_467 = arith.constant 0 : i32
      %lt3A_468 = arith.cmpi slt, %rem3A_464, %lt3A_467 : i32
      %lt3A_469 = arith.constant 0 : i32
      %lt3A_470 = arith.cmpi slt, %select_n3A_463, %lt3A_469 : i32
      %ne3A_471 = arith.xori %lt3A_468, %lt3A_470 : i1
      %and3A_472 = arith.andi %ne3A_471, %ne3A_466 : i1
      %add3A_473 = arith.addi %rem3A_464, %select_n3A_463 : i32
      %select_n3A_474 = arith.select %and3A_472, %add3A_473, %rem3A_464 : i32
      %eq3A_475 = vector.broadcast %select_n3A_474 : i32 to vector<16xi32>
      %eq3A_476 = arith.cmpi eq, %iota3A, %eq3A_475 : vector<16xi32>
      %jit3A_477 = arith.constant 0 : i32
      %broadcast_in_dim3A_478 = vector.broadcast %jit3A_477 : i32 to vector<16xi32>
      %select_n3A_479 = arith.select %eq3A_476, %get3A_458, %broadcast_in_dim3A_478 : vector<16xi1>, vector<16xi32>
      %reduce_sum3A_480 = arith.constant true
      %reduce_sum3A_481 = vector.broadcast %reduce_sum3A_480 : i1 to vector<16xi1>
      %reduce_sum3A_482 = tpu.scan <sum>, %select_n3A_479 masked %reduce_sum3A_481 : vector<16xi32>, vector<16xi1> -> vector<16xi32>
      %reduce_sum3A_483 = vector.extract %reduce_sum3A_482[15] : i32 from vector<16xi32>
      %and3A_484 = arith.constant 63 : i32
      %and3A_485 = arith.andi %reduce_sum3A_483, %and3A_484 : i32
      %scan3A_486 = arith.constant 0 : i32
      %scan3A_487 = arith.constant 0 : i32
      %scan3A_488 = arith.constant 64 : i32
      %scan3A_489 = arith.addi %scan3A_487, %scan3A_488 : i32
      %scan3A_490 = arith.constant 1 : i32
      scf.for %scan3A_737 = %scan3A_487 to %scan3A_489 step %scan3A_490  : i32 {
        %xor3A_738 = arith.xori %scan3A_737, %and3A_485 : i32
        %get3A_739 = arith.index_cast %xor3A_738 : i32 to index
        %get3A_740 = arith.constant 0 : index
        %get3A_741 = tpu.vector_load %arg16[%get3A_739, %get3A_740] {strides = array<i32>} : memref<64x128xf32, #tpu.memory_space<vmem>>, vector<16xf32>,
        %get3A_742 = arith.index_cast %xor3A_738 : i32 to index
        %get3A_743 = arith.constant 16 : index
        %get3A_744 = tpu.vector_load %arg16[%get3A_742, %get3A_743] {strides = array<i32>} : memref<64x128xf32, #tpu.memory_space<vmem>>, vector<16xf32>,
        %get3A_745 = arith.index_cast %xor3A_738 : i32 to index
        %get3A_746 = arith.constant 32 : index
        %get3A_747 = tpu.vector_load %arg16[%get3A_745, %get3A_746] {strides = array<i32>} : memref<64x128xf32, #tpu.memory_space<vmem>>, vector<16xf32>,
        %get3A_748 = arith.index_cast %xor3A_738 : i32 to index
        %get3A_749 = arith.constant 48 : index
        %get3A_750 = tpu.vector_load %arg16[%get3A_748, %get3A_749] {strides = array<i32>} : memref<64x128xf32, #tpu.memory_space<vmem>>, vector<16xf32>,
        %get3A_751 = arith.index_cast %xor3A_738 : i32 to index
        %get3A_752 = arith.constant 64 : index
        %get3A_753 = tpu.vector_load %arg16[%get3A_751, %get3A_752] {strides = array<i32>} : memref<64x128xf32, #tpu.memory_space<vmem>>, vector<16xf32>,
        %get3A_754 = arith.index_cast %xor3A_738 : i32 to index
        %get3A_755 = arith.constant 80 : index
        %get3A_756 = tpu.vector_load %arg16[%get3A_754, %get3A_755] {strides = array<i32>} : memref<64x128xf32, #tpu.memory_space<vmem>>, vector<16xf32>,
        %get3A_757 = arith.index_cast %xor3A_738 : i32 to index
        %get3A_758 = arith.constant 96 : index
        %get3A_759 = tpu.vector_load %arg16[%get3A_757, %get3A_758] {strides = array<i32>} : memref<64x128xf32, #tpu.memory_space<vmem>>, vector<16xf32>,
        %get3A_760 = arith.index_cast %xor3A_738 : i32 to index
        %get3A_761 = arith.constant 112 : index
        %get3A_762 = tpu.vector_load %arg16[%get3A_760, %get3A_761] {strides = array<i32>} : memref<64x128xf32, #tpu.memory_space<vmem>>, vector<16xf32>,
        %get3A_763 = arith.index_cast %xor3A_738 : i32 to index
        %get3A_764 = arith.constant 0 : index
        %get3A_765 = tpu.vector_load %arg20[%get3A_763, %get3A_764] {strides = array<i32>} : memref<64x128xf32, #tpu.memory_space<vmem>>, vector<16xf32>,
        %get3A_766 = arith.index_cast %xor3A_738 : i32 to index
        %get3A_767 = arith.constant 16 : index
        %get3A_768 = tpu.vector_load %arg20[%get3A_766, %get3A_767] {strides = array<i32>} : memref<64x128xf32, #tpu.memory_space<vmem>>, vector<16xf32>,
        %get3A_769 = arith.index_cast %xor3A_738 : i32 to index
        %get3A_770 = arith.constant 32 : index
        %get3A_771 = tpu.vector_load %arg20[%get3A_769, %get3A_770] {strides = array<i32>} : memref<64x128xf32, #tpu.memory_space<vmem>>, vector<16xf32>,
        %get3A_772 = arith.index_cast %xor3A_738 : i32 to index
        %get3A_773 = arith.constant 48 : index
        %get3A_774 = tpu.vector_load %arg20[%get3A_772, %get3A_773] {strides = array<i32>} : memref<64x128xf32, #tpu.memory_space<vmem>>, vector<16xf32>,
        %get3A_775 = arith.index_cast %xor3A_738 : i32 to index
        %get3A_776 = arith.constant 64 : index
        %get3A_777 = tpu.vector_load %arg20[%get3A_775, %get3A_776] {strides = array<i32>} : memref<64x128xf32, #tpu.memory_space<vmem>>, vector<16xf32>,
        %get3A_778 = arith.index_cast %xor3A_738 : i32 to index
        %get3A_779 = arith.constant 80 : index
        %get3A_780 = tpu.vector_load %arg20[%get3A_778, %get3A_779] {strides = array<i32>} : memref<64x128xf32, #tpu.memory_space<vmem>>, vector<16xf32>,
        %get3A_781 = arith.index_cast %xor3A_738 : i32 to index
        %get3A_782 = arith.constant 96 : index
        %get3A_783 = tpu.vector_load %arg20[%get3A_781, %get3A_782] {strides = array<i32>} : memref<64x128xf32, #tpu.memory_space<vmem>>, vector<16xf32>,
        %get3A_784 = arith.index_cast %xor3A_738 : i32 to index
        %get3A_785 = arith.constant 112 : index
        %get3A_786 = tpu.vector_load %arg20[%get3A_784, %get3A_785] {strides = array<i32>} : memref<64x128xf32, #tpu.memory_space<vmem>>, vector<16xf32>,
        %rev3A = arith.constant 15 : i32
        %rev3A_787 = vector.broadcast %rev3A : i32 to vector<16xi32>
        %rev3A_788 = tpu.iota {dimensions = array<i32: 0>} : vector<16xi32>
        %rev3A_789 = arith.subi %rev3A_787, %rev3A_788 : vector<16xi32>
        %rev3A_790 = tpu.dynamic_gather %get3A_762[%rev3A_789] in [0] : vector<16xf32>, vector<16xi32> -> vector<16xf32>
        %select_n3A_791 = arith.select %ne3A_429, %rev3A_790, %get3A_741 : vector<16xi1>, vector<16xf32>
        %rev3A_792 = arith.constant 15 : i32
        %rev3A_793 = vector.broadcast %rev3A_792 : i32 to vector<16xi32>
        %rev3A_794 = tpu.iota {dimensions = array<i32: 0>} : vector<16xi32>
        %rev3A_795 = arith.subi %rev3A_793, %rev3A_794 : vector<16xi32>
        %rev3A_796 = tpu.dynamic_gather %get3A_786[%rev3A_795] in [0] : vector<16xf32>, vector<16xi32> -> vector<16xf32>
        %select_n3A_797 = arith.select %ne3A_429, %rev3A_796, %get3A_765 : vector<16xi1>, vector<16xf32>
        %mul3A_798 = arith.mulf %sub3A_424, %select_n3A_791 : vector<16xf32>
        %get3A_799 = arith.index_cast %scan3A_737 : i32 to index
        %get3A_800 = arith.constant 0 : index
        %get3A_801 = tpu.vector_load %arg18[%get3A_799, %get3A_800] {strides = array<i32>} : memref<64x128xf32, #tpu.memory_space<vmem>>, vector<16xf32>,
        %mul3A_802 = arith.mulf %gather3A, %get3A_801 : vector<16xf32>
        %add3A_803 = arith.addf %mul3A_798, %mul3A_802 : vector<16xf32>
        %swap3A_804 = arith.index_cast %scan3A_737 : i32 to index
        %swap3A_805 = arith.constant 0 : index
        %swap3A_806 = tpu.vector_load %arg22[%swap3A_804, %swap3A_805] {strides = array<i32>} : memref<64x128xf32, #tpu.memory_space<vmem>>, vector<16xf32>,
        tpu.vector_store %arg22[%swap3A_804, %swap3A_805], %add3A_803 {strides = array<i32>} : memref<64x128xf32, #tpu.memory_space<vmem>>, vector<16xf32>,
        %swap3A_807 = arith.index_cast %scan3A_737 : i32 to index
        %swap3A_808 = arith.constant 0 : index
        %swap3A_809 = tpu.vector_load %arg24[%swap3A_807, %swap3A_808] {strides = array<i32>} : memref<64x128xf32, #tpu.memory_space<vmem>>, vector<16xf32>,
        tpu.vector_store %arg24[%swap3A_807, %swap3A_808], %select_n3A_797 {strides = array<i32>} : memref<64x128xf32, #tpu.memory_space<vmem>>, vector<16xf32>,
        %rev3A_810 = arith.constant 15 : i32
        %rev3A_811 = vector.broadcast %rev3A_810 : i32 to vector<16xi32>
        %rev3A_812 = tpu.iota {dimensions = array<i32: 0>} : vector<16xi32>
        %rev3A_813 = arith.subi %rev3A_811, %rev3A_812 : vector<16xi32>
        %rev3A_814 = tpu.dynamic_gather %get3A_759[%rev3A_813] in [0] : vector<16xf32>, vector<16xi32> -> vector<16xf32>
        %select_n3A_815 = arith.select %ne3A_429, %rev3A_814, %get3A_744 : vector<16xi1>, vector<16xf32>
        %rev3A_816 = arith.constant 15 : i32
        %rev3A_817 = vector.broadcast %rev3A_816 : i32 to vector<16xi32>
        %rev3A_818 = tpu.iota {dimensions = array<i32: 0>} : vector<16xi32>
        %rev3A_819 = arith.subi %rev3A_817, %rev3A_818 : vector<16xi32>
        %rev3A_820 = tpu.dynamic_gather %get3A_783[%rev3A_819] in [0] : vector<16xf32>, vector<16xi32> -> vector<16xf32>
        %select_n3A_821 = arith.select %ne3A_429, %rev3A_820, %get3A_768 : vector<16xi1>, vector<16xf32>
        %mul3A_822 = arith.mulf %sub3A_424, %select_n3A_815 : vector<16xf32>
        %get3A_823 = arith.index_cast %scan3A_737 : i32 to index
        %get3A_824 = arith.constant 16 : index
        %get3A_825 = tpu.vector_load %arg18[%get3A_823, %get3A_824] {strides = array<i32>} : memref<64x128xf32, #tpu.memory_space<vmem>>, vector<16xf32>,
        %mul3A_826 = arith.mulf %gather3A, %get3A_825 : vector<16xf32>
        %add3A_827 = arith.addf %mul3A_822, %mul3A_826 : vector<16xf32>
        %swap3A_828 = arith.index_cast %scan3A_737 : i32 to index
        %swap3A_829 = arith.constant 16 : index
        %swap3A_830 = tpu.vector_load %arg22[%swap3A_828, %swap3A_829] {strides = array<i32>} : memref<64x128xf32, #tpu.memory_space<vmem>>, vector<16xf32>,
        tpu.vector_store %arg22[%swap3A_828, %swap3A_829], %add3A_827 {strides = array<i32>} : memref<64x128xf32, #tpu.memory_space<vmem>>, vector<16xf32>,
        %swap3A_831 = arith.index_cast %scan3A_737 : i32 to index
        %swap3A_832 = arith.constant 16 : index
        %swap3A_833 = tpu.vector_load %arg24[%swap3A_831, %swap3A_832] {strides = array<i32>} : memref<64x128xf32, #tpu.memory_space<vmem>>, vector<16xf32>,
        tpu.vector_store %arg24[%swap3A_831, %swap3A_832], %select_n3A_821 {strides = array<i32>} : memref<64x128xf32, #tpu.memory_space<vmem>>, vector<16xf32>,
        %rev3A_834 = arith.constant 15 : i32
        %rev3A_835 = vector.broadcast %rev3A_834 : i32 to vector<16xi32>
        %rev3A_836 = tpu.iota {dimensions = array<i32: 0>} : vector<16xi32>
        %rev3A_837 = arith.subi %rev3A_835, %rev3A_836 : vector<16xi32>
        %rev3A_838 = tpu.dynamic_gather %get3A_756[%rev3A_837] in [0] : vector<16xf32>, vector<16xi32> -> vector<16xf32>
        %select_n3A_839 = arith.select %ne3A_429, %rev3A_838, %get3A_747 : vector<16xi1>, vector<16xf32>
        %rev3A_840 = arith.constant 15 : i32
        %rev3A_841 = vector.broadcast %rev3A_840 : i32 to vector<16xi32>
        %rev3A_842 = tpu.iota {dimensions = array<i32: 0>} : vector<16xi32>
        %rev3A_843 = arith.subi %rev3A_841, %rev3A_842 : vector<16xi32>
        %rev3A_844 = tpu.dynamic_gather %get3A_780[%rev3A_843] in [0] : vector<16xf32>, vector<16xi32> -> vector<16xf32>
        %select_n3A_845 = arith.select %ne3A_429, %rev3A_844, %get3A_771 : vector<16xi1>, vector<16xf32>
        %mul3A_846 = arith.mulf %sub3A_424, %select_n3A_839 : vector<16xf32>
        %get3A_847 = arith.index_cast %scan3A_737 : i32 to index
        %get3A_848 = arith.constant 32 : index
        %get3A_849 = tpu.vector_load %arg18[%get3A_847, %get3A_848] {strides = array<i32>} : memref<64x128xf32, #tpu.memory_space<vmem>>, vector<16xf32>,
        %mul3A_850 = arith.mulf %gather3A, %get3A_849 : vector<16xf32>
        %add3A_851 = arith.addf %mul3A_846, %mul3A_850 : vector<16xf32>
        %swap3A_852 = arith.index_cast %scan3A_737 : i32 to index
        %swap3A_853 = arith.constant 32 : index
        %swap3A_854 = tpu.vector_load %arg22[%swap3A_852, %swap3A_853] {strides = array<i32>} : memref<64x128xf32, #tpu.memory_space<vmem>>, vector<16xf32>,
        tpu.vector_store %arg22[%swap3A_852, %swap3A_853], %add3A_851 {strides = array<i32>} : memref<64x128xf32, #tpu.memory_space<vmem>>, vector<16xf32>,
        %swap3A_855 = arith.index_cast %scan3A_737 : i32 to index
        %swap3A_856 = arith.constant 32 : index
        %swap3A_857 = tpu.vector_load %arg24[%swap3A_855, %swap3A_856] {strides = array<i32>} : memref<64x128xf32, #tpu.memory_space<vmem>>, vector<16xf32>,
        tpu.vector_store %arg24[%swap3A_855, %swap3A_856], %select_n3A_845 {strides = array<i32>} : memref<64x128xf32, #tpu.memory_space<vmem>>, vector<16xf32>,
        %rev3A_858 = arith.constant 15 : i32
        %rev3A_859 = vector.broadcast %rev3A_858 : i32 to vector<16xi32>
        %rev3A_860 = tpu.iota {dimensions = array<i32: 0>} : vector<16xi32>
        %rev3A_861 = arith.subi %rev3A_859, %rev3A_860 : vector<16xi32>
        %rev3A_862 = tpu.dynamic_gather %get3A_753[%rev3A_861] in [0] : vector<16xf32>, vector<16xi32> -> vector<16xf32>
        %select_n3A_863 = arith.select %ne3A_429, %rev3A_862, %get3A_750 : vector<16xi1>, vector<16xf32>
        %rev3A_864 = arith.constant 15 : i32
        %rev3A_865 = vector.broadcast %rev3A_864 : i32 to vector<16xi32>
        %rev3A_866 = tpu.iota {dimensions = array<i32: 0>} : vector<16xi32>
        %rev3A_867 = arith.subi %rev3A_865, %rev3A_866 : vector<16xi32>
        %rev3A_868 = tpu.dynamic_gather %get3A_777[%rev3A_867] in [0] : vector<16xf32>, vector<16xi32> -> vector<16xf32>
        %select_n3A_869 = arith.select %ne3A_429, %rev3A_868, %get3A_774 : vector<16xi1>, vector<16xf32>
        %mul3A_870 = arith.mulf %sub3A_424, %select_n3A_863 : vector<16xf32>
        %get3A_871 = arith.index_cast %scan3A_737 : i32 to index
        %get3A_872 = arith.constant 48 : index
        %get3A_873 = tpu.vector_load %arg18[%get3A_871, %get3A_872] {strides = array<i32>} : memref<64x128xf32, #tpu.memory_space<vmem>>, vector<16xf32>,
        %mul3A_874 = arith.mulf %gather3A, %get3A_873 : vector<16xf32>
        %add3A_875 = arith.addf %mul3A_870, %mul3A_874 : vector<16xf32>
        %swap3A_876 = arith.index_cast %scan3A_737 : i32 to index
        %swap3A_877 = arith.constant 48 : index
        %swap3A_878 = tpu.vector_load %arg22[%swap3A_876, %swap3A_877] {strides = array<i32>} : memref<64x128xf32, #tpu.memory_space<vmem>>, vector<16xf32>,
        tpu.vector_store %arg22[%swap3A_876, %swap3A_877], %add3A_875 {strides = array<i32>} : memref<64x128xf32, #tpu.memory_space<vmem>>, vector<16xf32>,
        %swap3A_879 = arith.index_cast %scan3A_737 : i32 to index
        %swap3A_880 = arith.constant 48 : index
        %swap3A_881 = tpu.vector_load %arg24[%swap3A_879, %swap3A_880] {strides = array<i32>} : memref<64x128xf32, #tpu.memory_space<vmem>>, vector<16xf32>,
        tpu.vector_store %arg24[%swap3A_879, %swap3A_880], %select_n3A_869 {strides = array<i32>} : memref<64x128xf32, #tpu.memory_space<vmem>>, vector<16xf32>,
        %rev3A_882 = arith.constant 15 : i32
        %rev3A_883 = vector.broadcast %rev3A_882 : i32 to vector<16xi32>
        %rev3A_884 = tpu.iota {dimensions = array<i32: 0>} : vector<16xi32>
        %rev3A_885 = arith.subi %rev3A_883, %rev3A_884 : vector<16xi32>
        %rev3A_886 = tpu.dynamic_gather %get3A_750[%rev3A_885] in [0] : vector<16xf32>, vector<16xi32> -> vector<16xf32>
        %select_n3A_887 = arith.select %ne3A_429, %rev3A_886, %get3A_753 : vector<16xi1>, vector<16xf32>
        %rev3A_888 = arith.constant 15 : i32
        %rev3A_889 = vector.broadcast %rev3A_888 : i32 to vector<16xi32>
        %rev3A_890 = tpu.iota {dimensions = array<i32: 0>} : vector<16xi32>
        %rev3A_891 = arith.subi %rev3A_889, %rev3A_890 : vector<16xi32>
        %rev3A_892 = tpu.dynamic_gather %get3A_774[%rev3A_891] in [0] : vector<16xf32>, vector<16xi32> -> vector<16xf32>
        %select_n3A_893 = arith.select %ne3A_429, %rev3A_892, %get3A_777 : vector<16xi1>, vector<16xf32>
        %mul3A_894 = arith.mulf %sub3A_424, %select_n3A_887 : vector<16xf32>
        %get3A_895 = arith.index_cast %scan3A_737 : i32 to index
        %get3A_896 = arith.constant 64 : index
        %get3A_897 = tpu.vector_load %arg18[%get3A_895, %get3A_896] {strides = array<i32>} : memref<64x128xf32, #tpu.memory_space<vmem>>, vector<16xf32>,
        %mul3A_898 = arith.mulf %gather3A, %get3A_897 : vector<16xf32>
        %add3A_899 = arith.addf %mul3A_894, %mul3A_898 : vector<16xf32>
        %swap3A_900 = arith.index_cast %scan3A_737 : i32 to index
        %swap3A_901 = arith.constant 64 : index
        %swap3A_902 = tpu.vector_load %arg22[%swap3A_900, %swap3A_901] {strides = array<i32>} : memref<64x128xf32, #tpu.memory_space<vmem>>, vector<16xf32>,
        tpu.vector_store %arg22[%swap3A_900, %swap3A_901], %add3A_899 {strides = array<i32>} : memref<64x128xf32, #tpu.memory_space<vmem>>, vector<16xf32>,
        %swap3A_903 = arith.index_cast %scan3A_737 : i32 to index
        %swap3A_904 = arith.constant 64 : index
        %swap3A_905 = tpu.vector_load %arg24[%swap3A_903, %swap3A_904] {strides = array<i32>} : memref<64x128xf32, #tpu.memory_space<vmem>>, vector<16xf32>,
        tpu.vector_store %arg24[%swap3A_903, %swap3A_904], %select_n3A_893 {strides = array<i32>} : memref<64x128xf32, #tpu.memory_space<vmem>>, vector<16xf32>,
        %rev3A_906 = arith.constant 15 : i32
        %rev3A_907 = vector.broadcast %rev3A_906 : i32 to vector<16xi32>
        %rev3A_908 = tpu.iota {dimensions = array<i32: 0>} : vector<16xi32>
        %rev3A_909 = arith.subi %rev3A_907, %rev3A_908 : vector<16xi32>
        %rev3A_910 = tpu.dynamic_gather %get3A_747[%rev3A_909] in [0] : vector<16xf32>, vector<16xi32> -> vector<16xf32>
        %select_n3A_911 = arith.select %ne3A_429, %rev3A_910, %get3A_756 : vector<16xi1>, vector<16xf32>
        %rev3A_912 = arith.constant 15 : i32
        %rev3A_913 = vector.broadcast %rev3A_912 : i32 to vector<16xi32>
        %rev3A_914 = tpu.iota {dimensions = array<i32: 0>} : vector<16xi32>
        %rev3A_915 = arith.subi %rev3A_913, %rev3A_914 : vector<16xi32>
        %rev3A_916 = tpu.dynamic_gather %get3A_771[%rev3A_915] in [0] : vector<16xf32>, vector<16xi32> -> vector<16xf32>
        %select_n3A_917 = arith.select %ne3A_429, %rev3A_916, %get3A_780 : vector<16xi1>, vector<16xf32>
        %mul3A_918 = arith.mulf %sub3A_424, %select_n3A_911 : vector<16xf32>
        %get3A_919 = arith.index_cast %scan3A_737 : i32 to index
        %get3A_920 = arith.constant 80 : index
        %get3A_921 = tpu.vector_load %arg18[%get3A_919, %get3A_920] {strides = array<i32>} : memref<64x128xf32, #tpu.memory_space<vmem>>, vector<16xf32>,
        %mul3A_922 = arith.mulf %gather3A, %get3A_921 : vector<16xf32>
        %add3A_923 = arith.addf %mul3A_918, %mul3A_922 : vector<16xf32>
        %swap3A_924 = arith.index_cast %scan3A_737 : i32 to index
        %swap3A_925 = arith.constant 80 : index
        %swap3A_926 = tpu.vector_load %arg22[%swap3A_924, %swap3A_925] {strides = array<i32>} : memref<64x128xf32, #tpu.memory_space<vmem>>, vector<16xf32>,
        tpu.vector_store %arg22[%swap3A_924, %swap3A_925], %add3A_923 {strides = array<i32>} : memref<64x128xf32, #tpu.memory_space<vmem>>, vector<16xf32>,
        %swap3A_927 = arith.index_cast %scan3A_737 : i32 to index
        %swap3A_928 = arith.constant 80 : index
        %swap3A_929 = tpu.vector_load %arg24[%swap3A_927, %swap3A_928] {strides = array<i32>} : memref<64x128xf32, #tpu.memory_space<vmem>>, vector<16xf32>,
        tpu.vector_store %arg24[%swap3A_927, %swap3A_928], %select_n3A_917 {strides = array<i32>} : memref<64x128xf32, #tpu.memory_space<vmem>>, vector<16xf32>,
        %rev3A_930 = arith.constant 15 : i32
        %rev3A_931 = vector.broadcast %rev3A_930 : i32 to vector<16xi32>
        %rev3A_932 = tpu.iota {dimensions = array<i32: 0>} : vector<16xi32>
        %rev3A_933 = arith.subi %rev3A_931, %rev3A_932 : vector<16xi32>
        %rev3A_934 = tpu.dynamic_gather %get3A_744[%rev3A_933] in [0] : vector<16xf32>, vector<16xi32> -> vector<16xf32>
        %select_n3A_935 = arith.select %ne3A_429, %rev3A_934, %get3A_759 : vector<16xi1>, vector<16xf32>
        %rev3A_936 = arith.constant 15 : i32
        %rev3A_937 = vector.broadcast %rev3A_936 : i32 to vector<16xi32>
        %rev3A_938 = tpu.iota {dimensions = array<i32: 0>} : vector<16xi32>
        %rev3A_939 = arith.subi %rev3A_937, %rev3A_938 : vector<16xi32>
        %rev3A_940 = tpu.dynamic_gather %get3A_768[%rev3A_939] in [0] : vector<16xf32>, vector<16xi32> -> vector<16xf32>
        %select_n3A_941 = arith.select %ne3A_429, %rev3A_940, %get3A_783 : vector<16xi1>, vector<16xf32>
        %mul3A_942 = arith.mulf %sub3A_424, %select_n3A_935 : vector<16xf32>
        %get3A_943 = arith.index_cast %scan3A_737 : i32 to index
        %get3A_944 = arith.constant 96 : index
        %get3A_945 = tpu.vector_load %arg18[%get3A_943, %get3A_944] {strides = array<i32>} : memref<64x128xf32, #tpu.memory_space<vmem>>, vector<16xf32>,
        %mul3A_946 = arith.mulf %gather3A, %get3A_945 : vector<16xf32>
        %add3A_947 = arith.addf %mul3A_942, %mul3A_946 : vector<16xf32>
        %swap3A_948 = arith.index_cast %scan3A_737 : i32 to index
        %swap3A_949 = arith.constant 96 : index
        %swap3A_950 = tpu.vector_load %arg22[%swap3A_948, %swap3A_949] {strides = array<i32>} : memref<64x128xf32, #tpu.memory_space<vmem>>, vector<16xf32>,
        tpu.vector_store %arg22[%swap3A_948, %swap3A_949], %add3A_947 {strides = array<i32>} : memref<64x128xf32, #tpu.memory_space<vmem>>, vector<16xf32>,
        %swap3A_951 = arith.index_cast %scan3A_737 : i32 to index
        %swap3A_952 = arith.constant 96 : index
        %swap3A_953 = tpu.vector_load %arg24[%swap3A_951, %swap3A_952] {strides = array<i32>} : memref<64x128xf32, #tpu.memory_space<vmem>>, vector<16xf32>,
        tpu.vector_store %arg24[%swap3A_951, %swap3A_952], %select_n3A_941 {strides = array<i32>} : memref<64x128xf32, #tpu.memory_space<vmem>>, vector<16xf32>,
        %rev3A_954 = arith.constant 15 : i32
        %rev3A_955 = vector.broadcast %rev3A_954 : i32 to vector<16xi32>
        %rev3A_956 = tpu.iota {dimensions = array<i32: 0>} : vector<16xi32>
        %rev3A_957 = arith.subi %rev3A_955, %rev3A_956 : vector<16xi32>
        %rev3A_958 = tpu.dynamic_gather %get3A_741[%rev3A_957] in [0] : vector<16xf32>, vector<16xi32> -> vector<16xf32>
        %select_n3A_959 = arith.select %ne3A_429, %rev3A_958, %get3A_762 : vector<16xi1>, vector<16xf32>
        %rev3A_960 = arith.constant 15 : i32
        %rev3A_961 = vector.broadcast %rev3A_960 : i32 to vector<16xi32>
        %rev3A_962 = tpu.iota {dimensions = array<i32: 0>} : vector<16xi32>
        %rev3A_963 = arith.subi %rev3A_961, %rev3A_962 : vector<16xi32>
        %rev3A_964 = tpu.dynamic_gather %get3A_765[%rev3A_963] in [0] : vector<16xf32>, vector<16xi32> -> vector<16xf32>
        %select_n3A_965 = arith.select %ne3A_429, %rev3A_964, %get3A_786 : vector<16xi1>, vector<16xf32>
        %mul3A_966 = arith.mulf %sub3A_424, %select_n3A_959 : vector<16xf32>
        %get3A_967 = arith.index_cast %scan3A_737 : i32 to index
        %get3A_968 = arith.constant 112 : index
        %get3A_969 = tpu.vector_load %arg18[%get3A_967, %get3A_968] {strides = array<i32>} : memref<64x128xf32, #tpu.memory_space<vmem>>, vector<16xf32>,
        %mul3A_970 = arith.mulf %gather3A, %get3A_969 : vector<16xf32>
        %add3A_971 = arith.addf %mul3A_966, %mul3A_970 : vector<16xf32>
        %swap3A_972 = arith.index_cast %scan3A_737 : i32 to index
        %swap3A_973 = arith.constant 112 : index
        %swap3A_974 = tpu.vector_load %arg22[%swap3A_972, %swap3A_973] {strides = array<i32>} : memref<64x128xf32, #tpu.memory_space<vmem>>, vector<16xf32>,
        tpu.vector_store %arg22[%swap3A_972, %swap3A_973], %add3A_971 {strides = array<i32>} : memref<64x128xf32, #tpu.memory_space<vmem>>, vector<16xf32>,
        %swap3A_975 = arith.index_cast %scan3A_737 : i32 to index
        %swap3A_976 = arith.constant 112 : index
        %swap3A_977 = tpu.vector_load %arg24[%swap3A_975, %swap3A_976] {strides = array<i32>} : memref<64x128xf32, #tpu.memory_space<vmem>>, vector<16xf32>,
        tpu.vector_store %arg24[%swap3A_975, %swap3A_976], %select_n3A_965 {strides = array<i32>} : memref<64x128xf32, #tpu.memory_space<vmem>>, vector<16xf32>,
      }
      %scan3A_491 = arith.constant 64 : i32
      %jit3A_492 = arith.constant 2 : i32
      %div3A_493 = arith.divsi %add3A_376, %jit3A_492 : i32
      %sign3A_494 = arith.constant 0 : i32
      %sign3A_495 = arith.cmpi sgt, %add3A_376, %sign3A_494 : i32
      %sign3A_496 = arith.extui %sign3A_495 : i1 to i32
      %sign3A_497 = arith.constant 0 : i32
      %sign3A_498 = arith.cmpi slt, %add3A_376, %sign3A_497 : i32
      %sign3A_499 = arith.extui %sign3A_498 : i1 to i32
      %sign3A_500 = arith.subi %sign3A_496, %sign3A_499 : i32
      %sign3A_501 = arith.constant 0 : i32
      %sign3A_502 = arith.cmpi sgt, %jit3A_492, %sign3A_501 : i32
      %sign3A_503 = arith.extui %sign3A_502 : i1 to i32
      %sign3A_504 = arith.constant 0 : i32
      %sign3A_505 = arith.cmpi slt, %jit3A_492, %sign3A_504 : i32
      %sign3A_506 = arith.extui %sign3A_505 : i1 to i32
      %sign3A_507 = arith.subi %sign3A_503, %sign3A_506 : i32
      %ne3A_508 = arith.cmpi ne, %sign3A_500, %sign3A_507 : i32
      %rem3A_509 = arith.remsi %add3A_376, %jit3A_492 : i32
      %ne3A_510 = arith.constant 0 : i32
      %ne3A_511 = arith.cmpi ne, %rem3A_509, %ne3A_510 : i32
      %and3A_512 = arith.andi %ne3A_508, %ne3A_511 : i1
      %sub3A_513 = arith.constant 1 : i32
      %sub3A_514 = arith.subi %div3A_493, %sub3A_513 : i32
      %select_n3A_515 = arith.select %and3A_512, %sub3A_514, %div3A_493 : i32
      %jit3A_516 = arith.constant 2 : i32
      %eq3A_517 = arith.constant 0 : i32
      %eq3A_518 = arith.cmpi eq, %jit3A_516, %eq3A_517 : i32
      %jit3A_519 = arith.constant 1 : i32
      %select_n3A_520 = arith.select %eq3A_518, %jit3A_519, %jit3A_516 : i32
      %rem3A_521 = arith.remsi %add3A_376, %select_n3A_520 : i32
      %ne3A_522 = arith.constant 0 : i32
      %ne3A_523 = arith.cmpi ne, %rem3A_521, %ne3A_522 : i32
      %lt3A_524 = arith.constant 0 : i32
      %lt3A_525 = arith.cmpi slt, %rem3A_521, %lt3A_524 : i32
      %lt3A_526 = arith.constant 0 : i32
      %lt3A_527 = arith.cmpi slt, %select_n3A_520, %lt3A_526 : i32
      %ne3A_528 = arith.xori %lt3A_525, %lt3A_527 : i1
      %and3A_529 = arith.andi %ne3A_528, %ne3A_523 : i1
      %add3A_530 = arith.addi %rem3A_521, %select_n3A_520 : i32
      %select_n3A_531 = arith.select %and3A_529, %add3A_530, %rem3A_521 : i32
      %mul3A_532 = arith.constant 64 : i32
      %mul3A_533 = arith.muli %select_n3A_531, %mul3A_532 : i32
      %add3A_534 = arith.addi %mul3A_2, %select_n3A_515 : i32
      %mul3A_535 = arith.constant 128 : i32
      %mul3A_536 = arith.muli %add3A_534, %mul3A_535 : i32
      %add3A_537 = arith.addi %mul3A_536, %mul3A_533 : i32
      %multiple_of3A_538 = tpu.assume_multiple %add3A_537, 64 : i32
      %dma_start3A_539 = arith.constant 0 : i32
      %dma_start3A_540 = tpu.memref_slice %arg12[%multiple_of3A_538, %dma_start3A_539] : memref<524288x128xf32, #tpu.memory_space<hbm>> -> memref<64x128xf32, #tpu.memory_space<hbm>>
      %dma_start3A_541 = arith.constant 0 : i32
      %dma_start3A_542 = tpu.memref_slice %arg12[%multiple_of3A_538, %dma_start3A_541] : memref<524288x128xf32, #tpu.memory_space<hbm>> -> memref<64x128xf32, #tpu.memory_space<hbm>>
      tpu.enqueue_dma source(%arg22 : memref<64x128xf32, #tpu.memory_space<vmem>>) target(%dma_start3A_542 : memref<64x128xf32, #tpu.memory_space<hbm>>) target_semaphore(%arg39 : memref<!tpu.dma_semaphore, #tpu.memory_space<semaphore_mem>>)
      %dma_start3A_543 = arith.constant 0 : i32
      %dma_start3A_544 = tpu.memref_slice %arg15[%multiple_of3A_538, %dma_start3A_543] : memref<524288x128xf32, #tpu.memory_space<hbm>> -> memref<64x128xf32, #tpu.memory_space<hbm>>
      %dma_start3A_545 = arith.constant 0 : i32
      %dma_start3A_546 = tpu.memref_slice %arg15[%multiple_of3A_538, %dma_start3A_545] : memref<524288x128xf32, #tpu.memory_space<hbm>> -> memref<64x128xf32, #tpu.memory_space<hbm>>
      tpu.enqueue_dma source(%arg24 : memref<64x128xf32, #tpu.memory_space<vmem>>) target(%dma_start3A_546 : memref<64x128xf32, #tpu.memory_space<hbm>>) target_semaphore(%arg41 : memref<!tpu.dma_semaphore, #tpu.memory_space<semaphore_mem>>)
      %add3A_547 = arith.constant 2 : i32
      %add3A_548 = arith.addi %add3A_376, %add3A_547 : i32
      %lt3A_549 = arith.constant 256 : i32
      %lt3A_550 = arith.cmpi slt, %add3A_548, %lt3A_549 : i32
      %convert_element_type3A_551 = arith.extui %lt3A_550 : i1 to i32
      %cond3A_552 = arith.constant 0 : i32
      %cond3A_553 = arith.cmpi ne, %convert_element_type3A_551, %cond3A_552 : i32
      scf.if %cond3A_553 {
        %add3A_737 = arith.constant 2 : i32
        %add3A_738 = arith.addi %add3A_376, %add3A_737 : i32
        %jit3A_739 = arith.constant 2 : i32
        %div3A_740 = arith.divsi %add3A_738, %jit3A_739 : i32
        %sign3A_741 = arith.constant 0 : i32
        %sign3A_742 = arith.cmpi sgt, %add3A_738, %sign3A_741 : i32
        %sign3A_743 = arith.extui %sign3A_742 : i1 to i32
        %sign3A_744 = arith.constant 0 : i32
        %sign3A_745 = arith.cmpi slt, %add3A_738, %sign3A_744 : i32
        %sign3A_746 = arith.extui %sign3A_745 : i1 to i32
        %sign3A_747 = arith.subi %sign3A_743, %sign3A_746 : i32
        %sign3A_748 = arith.constant 0 : i32
        %sign3A_749 = arith.cmpi sgt, %jit3A_739, %sign3A_748 : i32
        %sign3A_750 = arith.extui %sign3A_749 : i1 to i32
        %sign3A_751 = arith.constant 0 : i32
        %sign3A_752 = arith.cmpi slt, %jit3A_739, %sign3A_751 : i32
        %sign3A_753 = arith.extui %sign3A_752 : i1 to i32
        %sign3A_754 = arith.subi %sign3A_750, %sign3A_753 : i32
        %ne3A_755 = arith.cmpi ne, %sign3A_747, %sign3A_754 : i32
        %rem3A_756 = arith.remsi %add3A_738, %jit3A_739 : i32
        %ne3A_757 = arith.constant 0 : i32
        %ne3A_758 = arith.cmpi ne, %rem3A_756, %ne3A_757 : i32
        %and3A_759 = arith.andi %ne3A_755, %ne3A_758 : i1
        %sub3A_760 = arith.constant 1 : i32
        %sub3A_761 = arith.subi %div3A_740, %sub3A_760 : i32
        %select_n3A_762 = arith.select %and3A_759, %sub3A_761, %div3A_740 : i32
        %jit3A_763 = arith.constant 2 : i32
        %eq3A_764 = arith.constant 0 : i32
        %eq3A_765 = arith.cmpi eq, %jit3A_763, %eq3A_764 : i32
        %jit3A_766 = arith.constant 1 : i32
        %select_n3A_767 = arith.select %eq3A_765, %jit3A_766, %jit3A_763 : i32
        %rem3A_768 = arith.remsi %add3A_738, %select_n3A_767 : i32
        %ne3A_769 = arith.constant 0 : i32
        %ne3A_770 = arith.cmpi ne, %rem3A_768, %ne3A_769 : i32
        %lt3A_771 = arith.constant 0 : i32
        %lt3A_772 = arith.cmpi slt, %rem3A_768, %lt3A_771 : i32
        %lt3A_773 = arith.constant 0 : i32
        %lt3A_774 = arith.cmpi slt, %select_n3A_767, %lt3A_773 : i32
        %ne3A_775 = arith.xori %lt3A_772, %lt3A_774 : i1
        %and3A_776 = arith.andi %ne3A_775, %ne3A_770 : i1
        %add3A_777 = arith.addi %rem3A_768, %select_n3A_767 : i32
        %select_n3A_778 = arith.select %and3A_776, %add3A_777, %rem3A_768 : i32
        %mul3A_779 = arith.constant 64 : i32
        %mul3A_780 = arith.muli %select_n3A_778, %mul3A_779 : i32
        %add3A_781 = arith.addi %mul3A_2, %select_n3A_762 : i32
        %mul3A_782 = arith.constant 128 : i32
        %mul3A_783 = arith.muli %add3A_781, %mul3A_782 : i32
        %add3A_784 = arith.addi %mul3A_783, %mul3A_780 : i32
        %multiple_of3A_785 = tpu.assume_multiple %add3A_784, 64 : i32
        %jit3A_786 = arith.constant 16 : i32
        %div3A_787 = arith.divsi %select_n3A_762, %jit3A_786 : i32
        %sign3A_788 = arith.constant 0 : i32
        %sign3A_789 = arith.cmpi sgt, %select_n3A_762, %sign3A_788 : i32
        %sign3A_790 = arith.extui %sign3A_789 : i1 to i32
        %sign3A_791 = arith.constant 0 : i32
        %sign3A_792 = arith.cmpi slt, %select_n3A_762, %sign3A_791 : i32
        %sign3A_793 = arith.extui %sign3A_792 : i1 to i32
        %sign3A_794 = arith.subi %sign3A_790, %sign3A_793 : i32
        %sign3A_795 = arith.constant 0 : i32
        %sign3A_796 = arith.cmpi sgt, %jit3A_786, %sign3A_795 : i32
        %sign3A_797 = arith.extui %sign3A_796 : i1 to i32
        %sign3A_798 = arith.constant 0 : i32
        %sign3A_799 = arith.cmpi slt, %jit3A_786, %sign3A_798 : i32
        %sign3A_800 = arith.extui %sign3A_799 : i1 to i32
        %sign3A_801 = arith.subi %sign3A_797, %sign3A_800 : i32
        %ne3A_802 = arith.cmpi ne, %sign3A_794, %sign3A_801 : i32
        %rem3A_803 = arith.remsi %select_n3A_762, %jit3A_786 : i32
        %ne3A_804 = arith.constant 0 : i32
        %ne3A_805 = arith.cmpi ne, %rem3A_803, %ne3A_804 : i32
        %and3A_806 = arith.andi %ne3A_802, %ne3A_805 : i1
        %sub3A_807 = arith.constant 1 : i32
        %sub3A_808 = arith.subi %div3A_787, %sub3A_807 : i32
        %select_n3A_809 = arith.select %and3A_806, %sub3A_808, %div3A_787 : i32
        %mul3A_810 = arith.constant 16 : i32
        %mul3A_811 = arith.muli %select_n3A_809, %mul3A_810 : i32
        %multiple_of3A_812 = tpu.assume_multiple %mul3A_811, 16 : i32
        %get3A_813 = arith.index_cast %multiple_of3A_812 : i32 to index
        %get3A_814 = tpu.vector_load %arg27[%get3A_813] {strides = array<i32>} : memref<128xi32, #tpu.memory_space<vmem>>, vector<16xi32>,
        %jit3A_815 = arith.constant 16 : i32
        %eq3A_816 = arith.constant 0 : i32
        %eq3A_817 = arith.cmpi eq, %jit3A_815, %eq3A_816 : i32
        %jit3A_818 = arith.constant 1 : i32
        %select_n3A_819 = arith.select %eq3A_817, %jit3A_818, %jit3A_815 : i32
        %rem3A_820 = arith.remsi %select_n3A_762, %select_n3A_819 : i32
        %ne3A_821 = arith.constant 0 : i32
        %ne3A_822 = arith.cmpi ne, %rem3A_820, %ne3A_821 : i32
        %lt3A_823 = arith.constant 0 : i32
        %lt3A_824 = arith.cmpi slt, %rem3A_820, %lt3A_823 : i32
        %lt3A_825 = arith.constant 0 : i32
        %lt3A_826 = arith.cmpi slt, %select_n3A_819, %lt3A_825 : i32
        %ne3A_827 = arith.xori %lt3A_824, %lt3A_826 : i1
        %and3A_828 = arith.andi %ne3A_827, %ne3A_822 : i1
        %add3A_829 = arith.addi %rem3A_820, %select_n3A_819 : i32
        %select_n3A_830 = arith.select %and3A_828, %add3A_829, %rem3A_820 : i32
        %eq3A_831 = vector.broadcast %select_n3A_830 : i32 to vector<16xi32>
        %eq3A_832 = arith.cmpi eq, %iota3A, %eq3A_831 : vector<16xi32>
        %jit3A_833 = arith.constant 0 : i32
        %broadcast_in_dim3A_834 = vector.broadcast %jit3A_833 : i32 to vector<16xi32>
        %select_n3A_835 = arith.select %eq3A_832, %get3A_814, %broadcast_in_dim3A_834 : vector<16xi1>, vector<16xi32>
        %reduce_sum3A_836 = arith.constant true
        %reduce_sum3A_837 = vector.broadcast %reduce_sum3A_836 : i1 to vector<16xi1>
        %reduce_sum3A_838 = tpu.scan <sum>, %select_n3A_835 masked %reduce_sum3A_837 : vector<16xi32>, vector<16xi1> -> vector<16xi32>
        %reduce_sum3A_839 = vector.extract %reduce_sum3A_838[15] : i32 from vector<16xi32>
        %add3A_840 = arith.addi %mul3A_2, %select_n3A_762 : i32
        %mul3A_841 = arith.constant 128 : i32
        %mul3A_842 = arith.muli %add3A_840, %mul3A_841 : i32
        %and3A_843 = arith.constant 64 : i32
        %and3A_844 = arith.andi %reduce_sum3A_839, %and3A_843 : i32
        %xor3A_845 = arith.xori %mul3A_780, %and3A_844 : i32
        %add3A_846 = arith.addi %mul3A_842, %xor3A_845 : i32
        %multiple_of3A_847 = tpu.assume_multiple %add3A_846, 64 : i32
        %dma_start3A_848 = arith.constant 0 : i32
        %dma_start3A_849 = tpu.memref_slice %arg2[%multiple_of3A_847, %dma_start3A_848] : memref<524288x128xf32, #tpu.memory_space<hbm>> -> memref<64x128xf32, #tpu.memory_space<hbm>>
        %dma_start3A_850 = arith.constant 0 : i32
        %dma_start3A_851 = tpu.memref_slice %arg2[%multiple_of3A_847, %dma_start3A_850] : memref<524288x128xf32, #tpu.memory_space<hbm>> -> memref<64x128xf32, #tpu.memory_space<hbm>>
        tpu.enqueue_dma source(%dma_start3A_851 : memref<64x128xf32, #tpu.memory_space<hbm>>) target(%arg16 : memref<64x128xf32, #tpu.memory_space<vmem>>) target_semaphore(%arg33 : memref<!tpu.dma_semaphore, #tpu.memory_space<semaphore_mem>>)
        %dma_start3A_852 = arith.constant 0 : i32
        %dma_start3A_853 = tpu.memref_slice %arg5[%multiple_of3A_847, %dma_start3A_852] : memref<524288x128xf32, #tpu.memory_space<hbm>> -> memref<64x128xf32, #tpu.memory_space<hbm>>
        %dma_start3A_854 = arith.constant 0 : i32
        %dma_start3A_855 = tpu.memref_slice %arg5[%multiple_of3A_847, %dma_start3A_854] : memref<524288x128xf32, #tpu.memory_space<hbm>> -> memref<64x128xf32, #tpu.memory_space<hbm>>
        tpu.enqueue_dma source(%dma_start3A_855 : memref<64x128xf32, #tpu.memory_space<hbm>>) target(%arg20 : memref<64x128xf32, #tpu.memory_space<vmem>>) target_semaphore(%arg37 : memref<!tpu.dma_semaphore, #tpu.memory_space<semaphore_mem>>)
        %dma_start3A_856 = arith.constant 0 : i32
        %dma_start3A_857 = tpu.memref_slice %arg6[%multiple_of3A_785, %dma_start3A_856] : memref<524288x128xf32, #tpu.memory_space<hbm>> -> memref<64x128xf32, #tpu.memory_space<hbm>>
        %dma_start3A_858 = arith.constant 0 : i32
        %dma_start3A_859 = tpu.memref_slice %arg6[%multiple_of3A_785, %dma_start3A_858] : memref<524288x128xf32, #tpu.memory_space<hbm>> -> memref<64x128xf32, #tpu.memory_space<hbm>>
        tpu.enqueue_dma source(%dma_start3A_859 : memref<64x128xf32, #tpu.memory_space<hbm>>) target(%arg18 : memref<64x128xf32, #tpu.memory_space<vmem>>) target_semaphore(%arg35 : memref<!tpu.dma_semaphore, #tpu.memory_space<semaphore_mem>>)
      } else {
      }
      %add3A_554 = arith.constant 1 : i32
      %add3A_555 = arith.addi %mul3A_374, %add3A_554 : i32
      %dma_wait3A_556 = arith.constant 0 : i32
      %dma_wait3A_557 = arith.constant 0 : i32
      %dma_wait3A_558 = tpu.memref_slice %arg2[%dma_wait3A_556, %dma_wait3A_557] : memref<524288x128xf32, #tpu.memory_space<hbm>> -> memref<64x128xf32, #tpu.memory_space<hbm>>
      %dma_wait3A_559 = arith.constant 0 : i32
      %dma_wait3A_560 = arith.constant 0 : i32
      %dma_wait3A_561 = tpu.memref_slice %arg2[%dma_wait3A_559, %dma_wait3A_560] : memref<524288x128xf32, #tpu.memory_space<hbm>> -> memref<64x128xf32, #tpu.memory_space<hbm>>
      tpu.wait_dma2 semaphore(%arg34 : memref<!tpu.dma_semaphore, #tpu.memory_space<semaphore_mem>>) src(%dma_wait3A_561 : memref<64x128xf32, #tpu.memory_space<hbm>>) dst(%arg17 : memref<64x128xf32, #tpu.memory_space<vmem>>)
      %dma_wait3A_562 = arith.constant 0 : i32
      %dma_wait3A_563 = arith.constant 0 : i32
      %dma_wait3A_564 = tpu.memref_slice %arg5[%dma_wait3A_562, %dma_wait3A_563] : memref<524288x128xf32, #tpu.memory_space<hbm>> -> memref<64x128xf32, #tpu.memory_space<hbm>>
      %dma_wait3A_565 = arith.constant 0 : i32
      %dma_wait3A_566 = arith.constant 0 : i32
      %dma_wait3A_567 = tpu.memref_slice %arg5[%dma_wait3A_565, %dma_wait3A_566] : memref<524288x128xf32, #tpu.memory_space<hbm>> -> memref<64x128xf32, #tpu.memory_space<hbm>>
      tpu.wait_dma2 semaphore(%arg38 : memref<!tpu.dma_semaphore, #tpu.memory_space<semaphore_mem>>) src(%dma_wait3A_567 : memref<64x128xf32, #tpu.memory_space<hbm>>) dst(%arg21 : memref<64x128xf32, #tpu.memory_space<vmem>>)
      %dma_wait3A_568 = arith.constant 0 : i32
      %dma_wait3A_569 = arith.constant 0 : i32
      %dma_wait3A_570 = tpu.memref_slice %arg6[%dma_wait3A_568, %dma_wait3A_569] : memref<524288x128xf32, #tpu.memory_space<hbm>> -> memref<64x128xf32, #tpu.memory_space<hbm>>
      %dma_wait3A_571 = arith.constant 0 : i32
      %dma_wait3A_572 = arith.constant 0 : i32
      %dma_wait3A_573 = tpu.memref_slice %arg6[%dma_wait3A_571, %dma_wait3A_572] : memref<524288x128xf32, #tpu.memory_space<hbm>> -> memref<64x128xf32, #tpu.memory_space<hbm>>
      tpu.wait_dma2 semaphore(%arg36 : memref<!tpu.dma_semaphore, #tpu.memory_space<semaphore_mem>>) src(%dma_wait3A_573 : memref<64x128xf32, #tpu.memory_space<hbm>>) dst(%arg19 : memref<64x128xf32, #tpu.memory_space<vmem>>)
      %ge3A_574 = arith.constant 2 : i32
      %ge3A_575 = arith.cmpi sge, %add3A_555, %ge3A_574 : i32
      %convert_element_type3A_576 = arith.extui %ge3A_575 : i1 to i32
      %cond3A_577 = arith.constant 0 : i32
      %cond3A_578 = arith.cmpi ne, %convert_element_type3A_576, %cond3A_577 : i32
      scf.if %cond3A_578 {
        %dma_wait3A_737 = arith.constant 0 : i32
        %dma_wait3A_738 = arith.constant 0 : i32
        %dma_wait3A_739 = tpu.memref_slice %arg12[%dma_wait3A_737, %dma_wait3A_738] : memref<524288x128xf32, #tpu.memory_space<hbm>> -> memref<64x128xf32, #tpu.memory_space<hbm>>
        %dma_wait3A_740 = arith.constant 0 : i32
        %dma_wait3A_741 = arith.constant 0 : i32
        %dma_wait3A_742 = tpu.memref_slice %arg12[%dma_wait3A_740, %dma_wait3A_741] : memref<524288x128xf32, #tpu.memory_space<hbm>> -> memref<64x128xf32, #tpu.memory_space<hbm>>
        tpu.wait_dma2 semaphore(%arg40 : memref<!tpu.dma_semaphore, #tpu.memory_space<semaphore_mem>>) src(%arg23 : memref<64x128xf32, #tpu.memory_space<vmem>>) dst(%dma_wait3A_742 : memref<64x128xf32, #tpu.memory_space<hbm>>)
        %dma_wait3A_743 = arith.constant 0 : i32
        %dma_wait3A_744 = arith.constant 0 : i32
        %dma_wait3A_745 = tpu.memref_slice %arg15[%dma_wait3A_743, %dma_wait3A_744] : memref<524288x128xf32, #tpu.memory_space<hbm>> -> memref<64x128xf32, #tpu.memory_space<hbm>>
        %dma_wait3A_746 = arith.constant 0 : i32
        %dma_wait3A_747 = arith.constant 0 : i32
        %dma_wait3A_748 = tpu.memref_slice %arg15[%dma_wait3A_746, %dma_wait3A_747] : memref<524288x128xf32, #tpu.memory_space<hbm>> -> memref<64x128xf32, #tpu.memory_space<hbm>>
        tpu.wait_dma2 semaphore(%arg42 : memref<!tpu.dma_semaphore, #tpu.memory_space<semaphore_mem>>) src(%arg25 : memref<64x128xf32, #tpu.memory_space<vmem>>) dst(%dma_wait3A_748 : memref<64x128xf32, #tpu.memory_space<hbm>>)
      } else {
      }
      %jit3A_579 = arith.constant 2 : i32
      %div3A_580 = arith.divsi %add3A_555, %jit3A_579 : i32
      %sign3A_581 = arith.constant 0 : i32
      %sign3A_582 = arith.cmpi sgt, %add3A_555, %sign3A_581 : i32
      %sign3A_583 = arith.extui %sign3A_582 : i1 to i32
      %sign3A_584 = arith.constant 0 : i32
      %sign3A_585 = arith.cmpi slt, %add3A_555, %sign3A_584 : i32
      %sign3A_586 = arith.extui %sign3A_585 : i1 to i32
      %sign3A_587 = arith.subi %sign3A_583, %sign3A_586 : i32
      %sign3A_588 = arith.constant 0 : i32
      %sign3A_589 = arith.cmpi sgt, %jit3A_579, %sign3A_588 : i32
      %sign3A_590 = arith.extui %sign3A_589 : i1 to i32
      %sign3A_591 = arith.constant 0 : i32
      %sign3A_592 = arith.cmpi slt, %jit3A_579, %sign3A_591 : i32
      %sign3A_593 = arith.extui %sign3A_592 : i1 to i32
      %sign3A_594 = arith.subi %sign3A_590, %sign3A_593 : i32
      %ne3A_595 = arith.cmpi ne, %sign3A_587, %sign3A_594 : i32
      %rem3A_596 = arith.remsi %add3A_555, %jit3A_579 : i32
      %ne3A_597 = arith.constant 0 : i32
      %ne3A_598 = arith.cmpi ne, %rem3A_596, %ne3A_597 : i32
      %and3A_599 = arith.andi %ne3A_595, %ne3A_598 : i1
      %sub3A_600 = arith.constant 1 : i32
      %sub3A_601 = arith.subi %div3A_580, %sub3A_600 : i32
      %select_n3A_602 = arith.select %and3A_599, %sub3A_601, %div3A_580 : i32
      %broadcast_in_dim3A_603 = vector.broadcast %select_n3A_602 : i32 to vector<16xi32>
      %gather3A_604 = tpu.vector_load_idx %arg26[%broadcast_in_dim3A_603] : memref<128xf32, #tpu.memory_space<vmem>>[vector<16xi32>], vector<16xf32>,
      %sub3A_605 = arith.constant 1.000000e+00 : f32
      %sub3A_606 = vector.broadcast %sub3A_605 : f32 to vector<16xf32>
      %sub3A_607 = arith.subf %sub3A_606, %gather3A_604 : vector<16xf32>
      %broadcast_in_dim3A_608 = vector.broadcast %select_n3A_602 : i32 to vector<16xi32>
      %gather3A_609 = tpu.vector_load_idx %arg28[%broadcast_in_dim3A_608] : memref<128xi32, #tpu.memory_space<vmem>>[vector<16xi32>], vector<16xi32>,
      %ne3A_610 = arith.constant 0 : i32
      %ne3A_611 = vector.broadcast %ne3A_610 : i32 to vector<16xi32>
      %ne3A_612 = arith.cmpi ne, %gather3A_609, %ne3A_611 : vector<16xi32>
      %jit3A_613 = arith.constant 16 : i32
      %div3A_614 = arith.divsi %select_n3A_602, %jit3A_613 : i32
      %sign3A_615 = arith.constant 0 : i32
      %sign3A_616 = arith.cmpi sgt, %select_n3A_602, %sign3A_615 : i32
      %sign3A_617 = arith.extui %sign3A_616 : i1 to i32
      %sign3A_618 = arith.constant 0 : i32
      %sign3A_619 = arith.cmpi slt, %select_n3A_602, %sign3A_618 : i32
      %sign3A_620 = arith.extui %sign3A_619 : i1 to i32
      %sign3A_621 = arith.subi %sign3A_617, %sign3A_620 : i32
      %sign3A_622 = arith.constant 0 : i32
      %sign3A_623 = arith.cmpi sgt, %jit3A_613, %sign3A_622 : i32
      %sign3A_624 = arith.extui %sign3A_623 : i1 to i32
      %sign3A_625 = arith.constant 0 : i32
      %sign3A_626 = arith.cmpi slt, %jit3A_613, %sign3A_625 : i32
      %sign3A_627 = arith.extui %sign3A_626 : i1 to i32
      %sign3A_628 = arith.subi %sign3A_624, %sign3A_627 : i32
      %ne3A_629 = arith.cmpi ne, %sign3A_621, %sign3A_628 : i32
      %rem3A_630 = arith.remsi %select_n3A_602, %jit3A_613 : i32
      %ne3A_631 = arith.constant 0 : i32
      %ne3A_632 = arith.cmpi ne, %rem3A_630, %ne3A_631 : i32
      %and3A_633 = arith.andi %ne3A_629, %ne3A_632 : i1
      %sub3A_634 = arith.constant 1 : i32
      %sub3A_635 = arith.subi %div3A_614, %sub3A_634 : i32
      %select_n3A_636 = arith.select %and3A_633, %sub3A_635, %div3A_614 : i32
      %mul3A_637 = arith.constant 16 : i32
      %mul3A_638 = arith.muli %select_n3A_636, %mul3A_637 : i32
      %multiple_of3A_639 = tpu.assume_multiple %mul3A_638, 16 : i32
      %get3A_640 = arith.index_cast %multiple_of3A_639 : i32 to index
      %get3A_641 = tpu.vector_load %arg27[%get3A_640] {strides = array<i32>} : memref<128xi32, #tpu.memory_space<vmem>>, vector<16xi32>,
      %jit3A_642 = arith.constant 16 : i32
      %eq3A_643 = arith.constant 0 : i32
      %eq3A_644 = arith.cmpi eq, %jit3A_642, %eq3A_643 : i32
      %jit3A_645 = arith.constant 1 : i32
      %select_n3A_646 = arith.select %eq3A_644, %jit3A_645, %jit3A_642 : i32
      %rem3A_647 = arith.remsi %select_n3A_602, %select_n3A_646 : i32
      %ne3A_648 = arith.constant 0 : i32
      %ne3A_649 = arith.cmpi ne, %rem3A_647, %ne3A_648 : i32
      %lt3A_650 = arith.constant 0 : i32
      %lt3A_651 = arith.cmpi slt, %rem3A_647, %lt3A_650 : i32
      %lt3A_652 = arith.constant 0 : i32
      %lt3A_653 = arith.cmpi slt, %select_n3A_646, %lt3A_652 : i32
      %ne3A_654 = arith.xori %lt3A_651, %lt3A_653 : i1
      %and3A_655 = arith.andi %ne3A_654, %ne3A_649 : i1
      %add3A_656 = arith.addi %rem3A_647, %select_n3A_646 : i32
      %select_n3A_657 = arith.select %and3A_655, %add3A_656, %rem3A_647 : i32
      %eq3A_658 = vector.broadcast %select_n3A_657 : i32 to vector<16xi32>
      %eq3A_659 = arith.cmpi eq, %iota3A, %eq3A_658 : vector<16xi32>
      %jit3A_660 = arith.constant 0 : i32
      %broadcast_in_dim3A_661 = vector.broadcast %jit3A_660 : i32 to vector<16xi32>
      %select_n3A_662 = arith.select %eq3A_659, %get3A_641, %broadcast_in_dim3A_661 : vector<16xi1>, vector<16xi32>
      %reduce_sum3A_663 = arith.constant true
      %reduce_sum3A_664 = vector.broadcast %reduce_sum3A_663 : i1 to vector<16xi1>
      %reduce_sum3A_665 = tpu.scan <sum>, %select_n3A_662 masked %reduce_sum3A_664 : vector<16xi32>, vector<16xi1> -> vector<16xi32>
      %reduce_sum3A_666 = vector.extract %reduce_sum3A_665[15] : i32 from vector<16xi32>
      %and3A_667 = arith.constant 63 : i32
      %and3A_668 = arith.andi %reduce_sum3A_666, %and3A_667 : i32
      %scan3A_669 = arith.constant 0 : i32
      %scan3A_670 = arith.constant 0 : i32
      %scan3A_671 = arith.constant 64 : i32
      %scan3A_672 = arith.addi %scan3A_670, %scan3A_671 : i32
      %scan3A_673 = arith.constant 1 : i32
      scf.for %scan3A_737 = %scan3A_670 to %scan3A_672 step %scan3A_673  : i32 {
        %xor3A_738 = arith.xori %scan3A_737, %and3A_668 : i32
        %get3A_739 = arith.index_cast %xor3A_738 : i32 to index
        %get3A_740 = arith.constant 0 : index
        %get3A_741 = tpu.vector_load %arg17[%get3A_739, %get3A_740] {strides = array<i32>} : memref<64x128xf32, #tpu.memory_space<vmem>>, vector<16xf32>,
        %get3A_742 = arith.index_cast %xor3A_738 : i32 to index
        %get3A_743 = arith.constant 16 : index
        %get3A_744 = tpu.vector_load %arg17[%get3A_742, %get3A_743] {strides = array<i32>} : memref<64x128xf32, #tpu.memory_space<vmem>>, vector<16xf32>,
        %get3A_745 = arith.index_cast %xor3A_738 : i32 to index
        %get3A_746 = arith.constant 32 : index
        %get3A_747 = tpu.vector_load %arg17[%get3A_745, %get3A_746] {strides = array<i32>} : memref<64x128xf32, #tpu.memory_space<vmem>>, vector<16xf32>,
        %get3A_748 = arith.index_cast %xor3A_738 : i32 to index
        %get3A_749 = arith.constant 48 : index
        %get3A_750 = tpu.vector_load %arg17[%get3A_748, %get3A_749] {strides = array<i32>} : memref<64x128xf32, #tpu.memory_space<vmem>>, vector<16xf32>,
        %get3A_751 = arith.index_cast %xor3A_738 : i32 to index
        %get3A_752 = arith.constant 64 : index
        %get3A_753 = tpu.vector_load %arg17[%get3A_751, %get3A_752] {strides = array<i32>} : memref<64x128xf32, #tpu.memory_space<vmem>>, vector<16xf32>,
        %get3A_754 = arith.index_cast %xor3A_738 : i32 to index
        %get3A_755 = arith.constant 80 : index
        %get3A_756 = tpu.vector_load %arg17[%get3A_754, %get3A_755] {strides = array<i32>} : memref<64x128xf32, #tpu.memory_space<vmem>>, vector<16xf32>,
        %get3A_757 = arith.index_cast %xor3A_738 : i32 to index
        %get3A_758 = arith.constant 96 : index
        %get3A_759 = tpu.vector_load %arg17[%get3A_757, %get3A_758] {strides = array<i32>} : memref<64x128xf32, #tpu.memory_space<vmem>>, vector<16xf32>,
        %get3A_760 = arith.index_cast %xor3A_738 : i32 to index
        %get3A_761 = arith.constant 112 : index
        %get3A_762 = tpu.vector_load %arg17[%get3A_760, %get3A_761] {strides = array<i32>} : memref<64x128xf32, #tpu.memory_space<vmem>>, vector<16xf32>,
        %get3A_763 = arith.index_cast %xor3A_738 : i32 to index
        %get3A_764 = arith.constant 0 : index
        %get3A_765 = tpu.vector_load %arg21[%get3A_763, %get3A_764] {strides = array<i32>} : memref<64x128xf32, #tpu.memory_space<vmem>>, vector<16xf32>,
        %get3A_766 = arith.index_cast %xor3A_738 : i32 to index
        %get3A_767 = arith.constant 16 : index
        %get3A_768 = tpu.vector_load %arg21[%get3A_766, %get3A_767] {strides = array<i32>} : memref<64x128xf32, #tpu.memory_space<vmem>>, vector<16xf32>,
        %get3A_769 = arith.index_cast %xor3A_738 : i32 to index
        %get3A_770 = arith.constant 32 : index
        %get3A_771 = tpu.vector_load %arg21[%get3A_769, %get3A_770] {strides = array<i32>} : memref<64x128xf32, #tpu.memory_space<vmem>>, vector<16xf32>,
        %get3A_772 = arith.index_cast %xor3A_738 : i32 to index
        %get3A_773 = arith.constant 48 : index
        %get3A_774 = tpu.vector_load %arg21[%get3A_772, %get3A_773] {strides = array<i32>} : memref<64x128xf32, #tpu.memory_space<vmem>>, vector<16xf32>,
        %get3A_775 = arith.index_cast %xor3A_738 : i32 to index
        %get3A_776 = arith.constant 64 : index
        %get3A_777 = tpu.vector_load %arg21[%get3A_775, %get3A_776] {strides = array<i32>} : memref<64x128xf32, #tpu.memory_space<vmem>>, vector<16xf32>,
        %get3A_778 = arith.index_cast %xor3A_738 : i32 to index
        %get3A_779 = arith.constant 80 : index
        %get3A_780 = tpu.vector_load %arg21[%get3A_778, %get3A_779] {strides = array<i32>} : memref<64x128xf32, #tpu.memory_space<vmem>>, vector<16xf32>,
        %get3A_781 = arith.index_cast %xor3A_738 : i32 to index
        %get3A_782 = arith.constant 96 : index
        %get3A_783 = tpu.vector_load %arg21[%get3A_781, %get3A_782] {strides = array<i32>} : memref<64x128xf32, #tpu.memory_space<vmem>>, vector<16xf32>,
        %get3A_784 = arith.index_cast %xor3A_738 : i32 to index
        %get3A_785 = arith.constant 112 : index
        %get3A_786 = tpu.vector_load %arg21[%get3A_784, %get3A_785] {strides = array<i32>} : memref<64x128xf32, #tpu.memory_space<vmem>>, vector<16xf32>,
        %rev3A = arith.constant 15 : i32
        %rev3A_787 = vector.broadcast %rev3A : i32 to vector<16xi32>
        %rev3A_788 = tpu.iota {dimensions = array<i32: 0>} : vector<16xi32>
        %rev3A_789 = arith.subi %rev3A_787, %rev3A_788 : vector<16xi32>
        %rev3A_790 = tpu.dynamic_gather %get3A_762[%rev3A_789] in [0] : vector<16xf32>, vector<16xi32> -> vector<16xf32>
        %select_n3A_791 = arith.select %ne3A_612, %rev3A_790, %get3A_741 : vector<16xi1>, vector<16xf32>
        %rev3A_792 = arith.constant 15 : i32
        %rev3A_793 = vector.broadcast %rev3A_792 : i32 to vector<16xi32>
        %rev3A_794 = tpu.iota {dimensions = array<i32: 0>} : vector<16xi32>
        %rev3A_795 = arith.subi %rev3A_793, %rev3A_794 : vector<16xi32>
        %rev3A_796 = tpu.dynamic_gather %get3A_786[%rev3A_795] in [0] : vector<16xf32>, vector<16xi32> -> vector<16xf32>
        %select_n3A_797 = arith.select %ne3A_612, %rev3A_796, %get3A_765 : vector<16xi1>, vector<16xf32>
        %mul3A_798 = arith.mulf %sub3A_607, %select_n3A_791 : vector<16xf32>
        %get3A_799 = arith.index_cast %scan3A_737 : i32 to index
        %get3A_800 = arith.constant 0 : index
        %get3A_801 = tpu.vector_load %arg19[%get3A_799, %get3A_800] {strides = array<i32>} : memref<64x128xf32, #tpu.memory_space<vmem>>, vector<16xf32>,
        %mul3A_802 = arith.mulf %gather3A_604, %get3A_801 : vector<16xf32>
        %add3A_803 = arith.addf %mul3A_798, %mul3A_802 : vector<16xf32>
        %swap3A_804 = arith.index_cast %scan3A_737 : i32 to index
        %swap3A_805 = arith.constant 0 : index
        %swap3A_806 = tpu.vector_load %arg23[%swap3A_804, %swap3A_805] {strides = array<i32>} : memref<64x128xf32, #tpu.memory_space<vmem>>, vector<16xf32>,
        tpu.vector_store %arg23[%swap3A_804, %swap3A_805], %add3A_803 {strides = array<i32>} : memref<64x128xf32, #tpu.memory_space<vmem>>, vector<16xf32>,
        %swap3A_807 = arith.index_cast %scan3A_737 : i32 to index
        %swap3A_808 = arith.constant 0 : index
        %swap3A_809 = tpu.vector_load %arg25[%swap3A_807, %swap3A_808] {strides = array<i32>} : memref<64x128xf32, #tpu.memory_space<vmem>>, vector<16xf32>,
        tpu.vector_store %arg25[%swap3A_807, %swap3A_808], %select_n3A_797 {strides = array<i32>} : memref<64x128xf32, #tpu.memory_space<vmem>>, vector<16xf32>,
        %rev3A_810 = arith.constant 15 : i32
        %rev3A_811 = vector.broadcast %rev3A_810 : i32 to vector<16xi32>
        %rev3A_812 = tpu.iota {dimensions = array<i32: 0>} : vector<16xi32>
        %rev3A_813 = arith.subi %rev3A_811, %rev3A_812 : vector<16xi32>
        %rev3A_814 = tpu.dynamic_gather %get3A_759[%rev3A_813] in [0] : vector<16xf32>, vector<16xi32> -> vector<16xf32>
        %select_n3A_815 = arith.select %ne3A_612, %rev3A_814, %get3A_744 : vector<16xi1>, vector<16xf32>
        %rev3A_816 = arith.constant 15 : i32
        %rev3A_817 = vector.broadcast %rev3A_816 : i32 to vector<16xi32>
        %rev3A_818 = tpu.iota {dimensions = array<i32: 0>} : vector<16xi32>
        %rev3A_819 = arith.subi %rev3A_817, %rev3A_818 : vector<16xi32>
        %rev3A_820 = tpu.dynamic_gather %get3A_783[%rev3A_819] in [0] : vector<16xf32>, vector<16xi32> -> vector<16xf32>
        %select_n3A_821 = arith.select %ne3A_612, %rev3A_820, %get3A_768 : vector<16xi1>, vector<16xf32>
        %mul3A_822 = arith.mulf %sub3A_607, %select_n3A_815 : vector<16xf32>
        %get3A_823 = arith.index_cast %scan3A_737 : i32 to index
        %get3A_824 = arith.constant 16 : index
        %get3A_825 = tpu.vector_load %arg19[%get3A_823, %get3A_824] {strides = array<i32>} : memref<64x128xf32, #tpu.memory_space<vmem>>, vector<16xf32>,
        %mul3A_826 = arith.mulf %gather3A_604, %get3A_825 : vector<16xf32>
        %add3A_827 = arith.addf %mul3A_822, %mul3A_826 : vector<16xf32>
        %swap3A_828 = arith.index_cast %scan3A_737 : i32 to index
        %swap3A_829 = arith.constant 16 : index
        %swap3A_830 = tpu.vector_load %arg23[%swap3A_828, %swap3A_829] {strides = array<i32>} : memref<64x128xf32, #tpu.memory_space<vmem>>, vector<16xf32>,
        tpu.vector_store %arg23[%swap3A_828, %swap3A_829], %add3A_827 {strides = array<i32>} : memref<64x128xf32, #tpu.memory_space<vmem>>, vector<16xf32>,
        %swap3A_831 = arith.index_cast %scan3A_737 : i32 to index
        %swap3A_832 = arith.constant 16 : index
        %swap3A_833 = tpu.vector_load %arg25[%swap3A_831, %swap3A_832] {strides = array<i32>} : memref<64x128xf32, #tpu.memory_space<vmem>>, vector<16xf32>,
        tpu.vector_store %arg25[%swap3A_831, %swap3A_832], %select_n3A_821 {strides = array<i32>} : memref<64x128xf32, #tpu.memory_space<vmem>>, vector<16xf32>,
        %rev3A_834 = arith.constant 15 : i32
        %rev3A_835 = vector.broadcast %rev3A_834 : i32 to vector<16xi32>
        %rev3A_836 = tpu.iota {dimensions = array<i32: 0>} : vector<16xi32>
        %rev3A_837 = arith.subi %rev3A_835, %rev3A_836 : vector<16xi32>
        %rev3A_838 = tpu.dynamic_gather %get3A_756[%rev3A_837] in [0] : vector<16xf32>, vector<16xi32> -> vector<16xf32>
        %select_n3A_839 = arith.select %ne3A_612, %rev3A_838, %get3A_747 : vector<16xi1>, vector<16xf32>
        %rev3A_840 = arith.constant 15 : i32
        %rev3A_841 = vector.broadcast %rev3A_840 : i32 to vector<16xi32>
        %rev3A_842 = tpu.iota {dimensions = array<i32: 0>} : vector<16xi32>
        %rev3A_843 = arith.subi %rev3A_841, %rev3A_842 : vector<16xi32>
        %rev3A_844 = tpu.dynamic_gather %get3A_780[%rev3A_843] in [0] : vector<16xf32>, vector<16xi32> -> vector<16xf32>
        %select_n3A_845 = arith.select %ne3A_612, %rev3A_844, %get3A_771 : vector<16xi1>, vector<16xf32>
        %mul3A_846 = arith.mulf %sub3A_607, %select_n3A_839 : vector<16xf32>
        %get3A_847 = arith.index_cast %scan3A_737 : i32 to index
        %get3A_848 = arith.constant 32 : index
        %get3A_849 = tpu.vector_load %arg19[%get3A_847, %get3A_848] {strides = array<i32>} : memref<64x128xf32, #tpu.memory_space<vmem>>, vector<16xf32>,
        %mul3A_850 = arith.mulf %gather3A_604, %get3A_849 : vector<16xf32>
        %add3A_851 = arith.addf %mul3A_846, %mul3A_850 : vector<16xf32>
        %swap3A_852 = arith.index_cast %scan3A_737 : i32 to index
        %swap3A_853 = arith.constant 32 : index
        %swap3A_854 = tpu.vector_load %arg23[%swap3A_852, %swap3A_853] {strides = array<i32>} : memref<64x128xf32, #tpu.memory_space<vmem>>, vector<16xf32>,
        tpu.vector_store %arg23[%swap3A_852, %swap3A_853], %add3A_851 {strides = array<i32>} : memref<64x128xf32, #tpu.memory_space<vmem>>, vector<16xf32>,
        %swap3A_855 = arith.index_cast %scan3A_737 : i32 to index
        %swap3A_856 = arith.constant 32 : index
        %swap3A_857 = tpu.vector_load %arg25[%swap3A_855, %swap3A_856] {strides = array<i32>} : memref<64x128xf32, #tpu.memory_space<vmem>>, vector<16xf32>,
        tpu.vector_store %arg25[%swap3A_855, %swap3A_856], %select_n3A_845 {strides = array<i32>} : memref<64x128xf32, #tpu.memory_space<vmem>>, vector<16xf32>,
        %rev3A_858 = arith.constant 15 : i32
        %rev3A_859 = vector.broadcast %rev3A_858 : i32 to vector<16xi32>
        %rev3A_860 = tpu.iota {dimensions = array<i32: 0>} : vector<16xi32>
        %rev3A_861 = arith.subi %rev3A_859, %rev3A_860 : vector<16xi32>
        %rev3A_862 = tpu.dynamic_gather %get3A_753[%rev3A_861] in [0] : vector<16xf32>, vector<16xi32> -> vector<16xf32>
        %select_n3A_863 = arith.select %ne3A_612, %rev3A_862, %get3A_750 : vector<16xi1>, vector<16xf32>
        %rev3A_864 = arith.constant 15 : i32
        %rev3A_865 = vector.broadcast %rev3A_864 : i32 to vector<16xi32>
        %rev3A_866 = tpu.iota {dimensions = array<i32: 0>} : vector<16xi32>
        %rev3A_867 = arith.subi %rev3A_865, %rev3A_866 : vector<16xi32>
        %rev3A_868 = tpu.dynamic_gather %get3A_777[%rev3A_867] in [0] : vector<16xf32>, vector<16xi32> -> vector<16xf32>
        %select_n3A_869 = arith.select %ne3A_612, %rev3A_868, %get3A_774 : vector<16xi1>, vector<16xf32>
        %mul3A_870 = arith.mulf %sub3A_607, %select_n3A_863 : vector<16xf32>
        %get3A_871 = arith.index_cast %scan3A_737 : i32 to index
        %get3A_872 = arith.constant 48 : index
        %get3A_873 = tpu.vector_load %arg19[%get3A_871, %get3A_872] {strides = array<i32>} : memref<64x128xf32, #tpu.memory_space<vmem>>, vector<16xf32>,
        %mul3A_874 = arith.mulf %gather3A_604, %get3A_873 : vector<16xf32>
        %add3A_875 = arith.addf %mul3A_870, %mul3A_874 : vector<16xf32>
        %swap3A_876 = arith.index_cast %scan3A_737 : i32 to index
        %swap3A_877 = arith.constant 48 : index
        %swap3A_878 = tpu.vector_load %arg23[%swap3A_876, %swap3A_877] {strides = array<i32>} : memref<64x128xf32, #tpu.memory_space<vmem>>, vector<16xf32>,
        tpu.vector_store %arg23[%swap3A_876, %swap3A_877], %add3A_875 {strides = array<i32>} : memref<64x128xf32, #tpu.memory_space<vmem>>, vector<16xf32>,
        %swap3A_879 = arith.index_cast %scan3A_737 : i32 to index
        %swap3A_880 = arith.constant 48 : index
        %swap3A_881 = tpu.vector_load %arg25[%swap3A_879, %swap3A_880] {strides = array<i32>} : memref<64x128xf32, #tpu.memory_space<vmem>>, vector<16xf32>,
        tpu.vector_store %arg25[%swap3A_879, %swap3A_880], %select_n3A_869 {strides = array<i32>} : memref<64x128xf32, #tpu.memory_space<vmem>>, vector<16xf32>,
        %rev3A_882 = arith.constant 15 : i32
        %rev3A_883 = vector.broadcast %rev3A_882 : i32 to vector<16xi32>
        %rev3A_884 = tpu.iota {dimensions = array<i32: 0>} : vector<16xi32>
        %rev3A_885 = arith.subi %rev3A_883, %rev3A_884 : vector<16xi32>
        %rev3A_886 = tpu.dynamic_gather %get3A_750[%rev3A_885] in [0] : vector<16xf32>, vector<16xi32> -> vector<16xf32>
        %select_n3A_887 = arith.select %ne3A_612, %rev3A_886, %get3A_753 : vector<16xi1>, vector<16xf32>
        %rev3A_888 = arith.constant 15 : i32
        %rev3A_889 = vector.broadcast %rev3A_888 : i32 to vector<16xi32>
        %rev3A_890 = tpu.iota {dimensions = array<i32: 0>} : vector<16xi32>
        %rev3A_891 = arith.subi %rev3A_889, %rev3A_890 : vector<16xi32>
        %rev3A_892 = tpu.dynamic_gather %get3A_774[%rev3A_891] in [0] : vector<16xf32>, vector<16xi32> -> vector<16xf32>
        %select_n3A_893 = arith.select %ne3A_612, %rev3A_892, %get3A_777 : vector<16xi1>, vector<16xf32>
        %mul3A_894 = arith.mulf %sub3A_607, %select_n3A_887 : vector<16xf32>
        %get3A_895 = arith.index_cast %scan3A_737 : i32 to index
        %get3A_896 = arith.constant 64 : index
        %get3A_897 = tpu.vector_load %arg19[%get3A_895, %get3A_896] {strides = array<i32>} : memref<64x128xf32, #tpu.memory_space<vmem>>, vector<16xf32>,
        %mul3A_898 = arith.mulf %gather3A_604, %get3A_897 : vector<16xf32>
        %add3A_899 = arith.addf %mul3A_894, %mul3A_898 : vector<16xf32>
        %swap3A_900 = arith.index_cast %scan3A_737 : i32 to index
        %swap3A_901 = arith.constant 64 : index
        %swap3A_902 = tpu.vector_load %arg23[%swap3A_900, %swap3A_901] {strides = array<i32>} : memref<64x128xf32, #tpu.memory_space<vmem>>, vector<16xf32>,
        tpu.vector_store %arg23[%swap3A_900, %swap3A_901], %add3A_899 {strides = array<i32>} : memref<64x128xf32, #tpu.memory_space<vmem>>, vector<16xf32>,
        %swap3A_903 = arith.index_cast %scan3A_737 : i32 to index
        %swap3A_904 = arith.constant 64 : index
        %swap3A_905 = tpu.vector_load %arg25[%swap3A_903, %swap3A_904] {strides = array<i32>} : memref<64x128xf32, #tpu.memory_space<vmem>>, vector<16xf32>,
        tpu.vector_store %arg25[%swap3A_903, %swap3A_904], %select_n3A_893 {strides = array<i32>} : memref<64x128xf32, #tpu.memory_space<vmem>>, vector<16xf32>,
        %rev3A_906 = arith.constant 15 : i32
        %rev3A_907 = vector.broadcast %rev3A_906 : i32 to vector<16xi32>
        %rev3A_908 = tpu.iota {dimensions = array<i32: 0>} : vector<16xi32>
        %rev3A_909 = arith.subi %rev3A_907, %rev3A_908 : vector<16xi32>
        %rev3A_910 = tpu.dynamic_gather %get3A_747[%rev3A_909] in [0] : vector<16xf32>, vector<16xi32> -> vector<16xf32>
        %select_n3A_911 = arith.select %ne3A_612, %rev3A_910, %get3A_756 : vector<16xi1>, vector<16xf32>
        %rev3A_912 = arith.constant 15 : i32
        %rev3A_913 = vector.broadcast %rev3A_912 : i32 to vector<16xi32>
        %rev3A_914 = tpu.iota {dimensions = array<i32: 0>} : vector<16xi32>
        %rev3A_915 = arith.subi %rev3A_913, %rev3A_914 : vector<16xi32>
        %rev3A_916 = tpu.dynamic_gather %get3A_771[%rev3A_915] in [0] : vector<16xf32>, vector<16xi32> -> vector<16xf32>
        %select_n3A_917 = arith.select %ne3A_612, %rev3A_916, %get3A_780 : vector<16xi1>, vector<16xf32>
        %mul3A_918 = arith.mulf %sub3A_607, %select_n3A_911 : vector<16xf32>
        %get3A_919 = arith.index_cast %scan3A_737 : i32 to index
        %get3A_920 = arith.constant 80 : index
        %get3A_921 = tpu.vector_load %arg19[%get3A_919, %get3A_920] {strides = array<i32>} : memref<64x128xf32, #tpu.memory_space<vmem>>, vector<16xf32>,
        %mul3A_922 = arith.mulf %gather3A_604, %get3A_921 : vector<16xf32>
        %add3A_923 = arith.addf %mul3A_918, %mul3A_922 : vector<16xf32>
        %swap3A_924 = arith.index_cast %scan3A_737 : i32 to index
        %swap3A_925 = arith.constant 80 : index
        %swap3A_926 = tpu.vector_load %arg23[%swap3A_924, %swap3A_925] {strides = array<i32>} : memref<64x128xf32, #tpu.memory_space<vmem>>, vector<16xf32>,
        tpu.vector_store %arg23[%swap3A_924, %swap3A_925], %add3A_923 {strides = array<i32>} : memref<64x128xf32, #tpu.memory_space<vmem>>, vector<16xf32>,
        %swap3A_927 = arith.index_cast %scan3A_737 : i32 to index
        %swap3A_928 = arith.constant 80 : index
        %swap3A_929 = tpu.vector_load %arg25[%swap3A_927, %swap3A_928] {strides = array<i32>} : memref<64x128xf32, #tpu.memory_space<vmem>>, vector<16xf32>,
        tpu.vector_store %arg25[%swap3A_927, %swap3A_928], %select_n3A_917 {strides = array<i32>} : memref<64x128xf32, #tpu.memory_space<vmem>>, vector<16xf32>,
        %rev3A_930 = arith.constant 15 : i32
        %rev3A_931 = vector.broadcast %rev3A_930 : i32 to vector<16xi32>
        %rev3A_932 = tpu.iota {dimensions = array<i32: 0>} : vector<16xi32>
        %rev3A_933 = arith.subi %rev3A_931, %rev3A_932 : vector<16xi32>
        %rev3A_934 = tpu.dynamic_gather %get3A_744[%rev3A_933] in [0] : vector<16xf32>, vector<16xi32> -> vector<16xf32>
        %select_n3A_935 = arith.select %ne3A_612, %rev3A_934, %get3A_759 : vector<16xi1>, vector<16xf32>
        %rev3A_936 = arith.constant 15 : i32
        %rev3A_937 = vector.broadcast %rev3A_936 : i32 to vector<16xi32>
        %rev3A_938 = tpu.iota {dimensions = array<i32: 0>} : vector<16xi32>
        %rev3A_939 = arith.subi %rev3A_937, %rev3A_938 : vector<16xi32>
        %rev3A_940 = tpu.dynamic_gather %get3A_768[%rev3A_939] in [0] : vector<16xf32>, vector<16xi32> -> vector<16xf32>
        %select_n3A_941 = arith.select %ne3A_612, %rev3A_940, %get3A_783 : vector<16xi1>, vector<16xf32>
        %mul3A_942 = arith.mulf %sub3A_607, %select_n3A_935 : vector<16xf32>
        %get3A_943 = arith.index_cast %scan3A_737 : i32 to index
        %get3A_944 = arith.constant 96 : index
        %get3A_945 = tpu.vector_load %arg19[%get3A_943, %get3A_944] {strides = array<i32>} : memref<64x128xf32, #tpu.memory_space<vmem>>, vector<16xf32>,
        %mul3A_946 = arith.mulf %gather3A_604, %get3A_945 : vector<16xf32>
        %add3A_947 = arith.addf %mul3A_942, %mul3A_946 : vector<16xf32>
        %swap3A_948 = arith.index_cast %scan3A_737 : i32 to index
        %swap3A_949 = arith.constant 96 : index
        %swap3A_950 = tpu.vector_load %arg23[%swap3A_948, %swap3A_949] {strides = array<i32>} : memref<64x128xf32, #tpu.memory_space<vmem>>, vector<16xf32>,
        tpu.vector_store %arg23[%swap3A_948, %swap3A_949], %add3A_947 {strides = array<i32>} : memref<64x128xf32, #tpu.memory_space<vmem>>, vector<16xf32>,
        %swap3A_951 = arith.index_cast %scan3A_737 : i32 to index
        %swap3A_952 = arith.constant 96 : index
        %swap3A_953 = tpu.vector_load %arg25[%swap3A_951, %swap3A_952] {strides = array<i32>} : memref<64x128xf32, #tpu.memory_space<vmem>>, vector<16xf32>,
        tpu.vector_store %arg25[%swap3A_951, %swap3A_952], %select_n3A_941 {strides = array<i32>} : memref<64x128xf32, #tpu.memory_space<vmem>>, vector<16xf32>,
        %rev3A_954 = arith.constant 15 : i32
        %rev3A_955 = vector.broadcast %rev3A_954 : i32 to vector<16xi32>
        %rev3A_956 = tpu.iota {dimensions = array<i32: 0>} : vector<16xi32>
        %rev3A_957 = arith.subi %rev3A_955, %rev3A_956 : vector<16xi32>
        %rev3A_958 = tpu.dynamic_gather %get3A_741[%rev3A_957] in [0] : vector<16xf32>, vector<16xi32> -> vector<16xf32>
        %select_n3A_959 = arith.select %ne3A_612, %rev3A_958, %get3A_762 : vector<16xi1>, vector<16xf32>
        %rev3A_960 = arith.constant 15 : i32
        %rev3A_961 = vector.broadcast %rev3A_960 : i32 to vector<16xi32>
        %rev3A_962 = tpu.iota {dimensions = array<i32: 0>} : vector<16xi32>
        %rev3A_963 = arith.subi %rev3A_961, %rev3A_962 : vector<16xi32>
        %rev3A_964 = tpu.dynamic_gather %get3A_765[%rev3A_963] in [0] : vector<16xf32>, vector<16xi32> -> vector<16xf32>
        %select_n3A_965 = arith.select %ne3A_612, %rev3A_964, %get3A_786 : vector<16xi1>, vector<16xf32>
        %mul3A_966 = arith.mulf %sub3A_607, %select_n3A_959 : vector<16xf32>
        %get3A_967 = arith.index_cast %scan3A_737 : i32 to index
        %get3A_968 = arith.constant 112 : index
        %get3A_969 = tpu.vector_load %arg19[%get3A_967, %get3A_968] {strides = array<i32>} : memref<64x128xf32, #tpu.memory_space<vmem>>, vector<16xf32>,
        %mul3A_970 = arith.mulf %gather3A_604, %get3A_969 : vector<16xf32>
        %add3A_971 = arith.addf %mul3A_966, %mul3A_970 : vector<16xf32>
        %swap3A_972 = arith.index_cast %scan3A_737 : i32 to index
        %swap3A_973 = arith.constant 112 : index
        %swap3A_974 = tpu.vector_load %arg23[%swap3A_972, %swap3A_973] {strides = array<i32>} : memref<64x128xf32, #tpu.memory_space<vmem>>, vector<16xf32>,
        tpu.vector_store %arg23[%swap3A_972, %swap3A_973], %add3A_971 {strides = array<i32>} : memref<64x128xf32, #tpu.memory_space<vmem>>, vector<16xf32>,
        %swap3A_975 = arith.index_cast %scan3A_737 : i32 to index
        %swap3A_976 = arith.constant 112 : index
        %swap3A_977 = tpu.vector_load %arg25[%swap3A_975, %swap3A_976] {strides = array<i32>} : memref<64x128xf32, #tpu.memory_space<vmem>>, vector<16xf32>,
        tpu.vector_store %arg25[%swap3A_975, %swap3A_976], %select_n3A_965 {strides = array<i32>} : memref<64x128xf32, #tpu.memory_space<vmem>>, vector<16xf32>,
      }
      %scan3A_674 = arith.constant 64 : i32
      %jit3A_675 = arith.constant 2 : i32
      %div3A_676 = arith.divsi %add3A_555, %jit3A_675 : i32
      %sign3A_677 = arith.constant 0 : i32
      %sign3A_678 = arith.cmpi sgt, %add3A_555, %sign3A_677 : i32
      %sign3A_679 = arith.extui %sign3A_678 : i1 to i32
      %sign3A_680 = arith.constant 0 : i32
      %sign3A_681 = arith.cmpi slt, %add3A_555, %sign3A_680 : i32
      %sign3A_682 = arith.extui %sign3A_681 : i1 to i32
      %sign3A_683 = arith.subi %sign3A_679, %sign3A_682 : i32
      %sign3A_684 = arith.constant 0 : i32
      %sign3A_685 = arith.cmpi sgt, %jit3A_675, %sign3A_684 : i32
      %sign3A_686 = arith.extui %sign3A_685 : i1 to i32
      %sign3A_687 = arith.constant 0 : i32
      %sign3A_688 = arith.cmpi slt, %jit3A_675, %sign3A_687 : i32
      %sign3A_689 = arith.extui %sign3A_688 : i1 to i32
      %sign3A_690 = arith.subi %sign3A_686, %sign3A_689 : i32
      %ne3A_691 = arith.cmpi ne, %sign3A_683, %sign3A_690 : i32
      %rem3A_692 = arith.remsi %add3A_555, %jit3A_675 : i32
      %ne3A_693 = arith.constant 0 : i32
      %ne3A_694 = arith.cmpi ne, %rem3A_692, %ne3A_693 : i32
      %and3A_695 = arith.andi %ne3A_691, %ne3A_694 : i1
      %sub3A_696 = arith.constant 1 : i32
      %sub3A_697 = arith.subi %div3A_676, %sub3A_696 : i32
      %select_n3A_698 = arith.select %and3A_695, %sub3A_697, %div3A_676 : i32
      %jit3A_699 = arith.constant 2 : i32
      %eq3A_700 = arith.constant 0 : i32
      %eq3A_701 = arith.cmpi eq, %jit3A_699, %eq3A_700 : i32
      %jit3A_702 = arith.constant 1 : i32
      %select_n3A_703 = arith.select %eq3A_701, %jit3A_702, %jit3A_699 : i32
      %rem3A_704 = arith.remsi %add3A_555, %select_n3A_703 : i32
      %ne3A_705 = arith.constant 0 : i32
      %ne3A_706 = arith.cmpi ne, %rem3A_704, %ne3A_705 : i32
      %lt3A_707 = arith.constant 0 : i32
      %lt3A_708 = arith.cmpi slt, %rem3A_704, %lt3A_707 : i32
      %lt3A_709 = arith.constant 0 : i32
      %lt3A_710 = arith.cmpi slt, %select_n3A_703, %lt3A_709 : i32
      %ne3A_711 = arith.xori %lt3A_708, %lt3A_710 : i1
      %and3A_712 = arith.andi %ne3A_711, %ne3A_706 : i1
      %add3A_713 = arith.addi %rem3A_704, %select_n3A_703 : i32
      %select_n3A_714 = arith.select %and3A_712, %add3A_713, %rem3A_704 : i32
      %mul3A_715 = arith.constant 64 : i32
      %mul3A_716 = arith.muli %select_n3A_714, %mul3A_715 : i32
      %add3A_717 = arith.addi %mul3A_2, %select_n3A_698 : i32
      %mul3A_718 = arith.constant 128 : i32
      %mul3A_719 = arith.muli %add3A_717, %mul3A_718 : i32
      %add3A_720 = arith.addi %mul3A_719, %mul3A_716 : i32
      %multiple_of3A_721 = tpu.assume_multiple %add3A_720, 64 : i32
      %dma_start3A_722 = arith.constant 0 : i32
      %dma_start3A_723 = tpu.memref_slice %arg12[%multiple_of3A_721, %dma_start3A_722] : memref<524288x128xf32, #tpu.memory_space<hbm>> -> memref<64x128xf32, #tpu.memory_space<hbm>>
      %dma_start3A_724 = arith.constant 0 : i32
      %dma_start3A_725 = tpu.memref_slice %arg12[%multiple_of3A_721, %dma_start3A_724] : memref<524288x128xf32, #tpu.memory_space<hbm>> -> memref<64x128xf32, #tpu.memory_space<hbm>>
      tpu.enqueue_dma source(%arg23 : memref<64x128xf32, #tpu.memory_space<vmem>>) target(%dma_start3A_725 : memref<64x128xf32, #tpu.memory_space<hbm>>) target_semaphore(%arg40 : memref<!tpu.dma_semaphore, #tpu.memory_space<semaphore_mem>>)
      %dma_start3A_726 = arith.constant 0 : i32
      %dma_start3A_727 = tpu.memref_slice %arg15[%multiple_of3A_721, %dma_start3A_726] : memref<524288x128xf32, #tpu.memory_space<hbm>> -> memref<64x128xf32, #tpu.memory_space<hbm>>
      %dma_start3A_728 = arith.constant 0 : i32
      %dma_start3A_729 = tpu.memref_slice %arg15[%multiple_of3A_721, %dma_start3A_728] : memref<524288x128xf32, #tpu.memory_space<hbm>> -> memref<64x128xf32, #tpu.memory_space<hbm>>
      tpu.enqueue_dma source(%arg25 : memref<64x128xf32, #tpu.memory_space<vmem>>) target(%dma_start3A_729 : memref<64x128xf32, #tpu.memory_space<hbm>>) target_semaphore(%arg42 : memref<!tpu.dma_semaphore, #tpu.memory_space<semaphore_mem>>)
      %add3A_730 = arith.constant 2 : i32
      %add3A_731 = arith.addi %add3A_555, %add3A_730 : i32
      %lt3A_732 = arith.constant 256 : i32
      %lt3A_733 = arith.cmpi slt, %add3A_731, %lt3A_732 : i32
      %convert_element_type3A_734 = arith.extui %lt3A_733 : i1 to i32
      %cond3A_735 = arith.constant 0 : i32
      %cond3A_736 = arith.cmpi ne, %convert_element_type3A_734, %cond3A_735 : i32
      scf.if %cond3A_736 {
        %add3A_737 = arith.constant 2 : i32
        %add3A_738 = arith.addi %add3A_555, %add3A_737 : i32
        %jit3A_739 = arith.constant 2 : i32
        %div3A_740 = arith.divsi %add3A_738, %jit3A_739 : i32
        %sign3A_741 = arith.constant 0 : i32
        %sign3A_742 = arith.cmpi sgt, %add3A_738, %sign3A_741 : i32
        %sign3A_743 = arith.extui %sign3A_742 : i1 to i32
        %sign3A_744 = arith.constant 0 : i32
        %sign3A_745 = arith.cmpi slt, %add3A_738, %sign3A_744 : i32
        %sign3A_746 = arith.extui %sign3A_745 : i1 to i32
        %sign3A_747 = arith.subi %sign3A_743, %sign3A_746 : i32
        %sign3A_748 = arith.constant 0 : i32
        %sign3A_749 = arith.cmpi sgt, %jit3A_739, %sign3A_748 : i32
        %sign3A_750 = arith.extui %sign3A_749 : i1 to i32
        %sign3A_751 = arith.constant 0 : i32
        %sign3A_752 = arith.cmpi slt, %jit3A_739, %sign3A_751 : i32
        %sign3A_753 = arith.extui %sign3A_752 : i1 to i32
        %sign3A_754 = arith.subi %sign3A_750, %sign3A_753 : i32
        %ne3A_755 = arith.cmpi ne, %sign3A_747, %sign3A_754 : i32
        %rem3A_756 = arith.remsi %add3A_738, %jit3A_739 : i32
        %ne3A_757 = arith.constant 0 : i32
        %ne3A_758 = arith.cmpi ne, %rem3A_756, %ne3A_757 : i32
        %and3A_759 = arith.andi %ne3A_755, %ne3A_758 : i1
        %sub3A_760 = arith.constant 1 : i32
        %sub3A_761 = arith.subi %div3A_740, %sub3A_760 : i32
        %select_n3A_762 = arith.select %and3A_759, %sub3A_761, %div3A_740 : i32
        %jit3A_763 = arith.constant 2 : i32
        %eq3A_764 = arith.constant 0 : i32
        %eq3A_765 = arith.cmpi eq, %jit3A_763, %eq3A_764 : i32
        %jit3A_766 = arith.constant 1 : i32
        %select_n3A_767 = arith.select %eq3A_765, %jit3A_766, %jit3A_763 : i32
        %rem3A_768 = arith.remsi %add3A_738, %select_n3A_767 : i32
        %ne3A_769 = arith.constant 0 : i32
        %ne3A_770 = arith.cmpi ne, %rem3A_768, %ne3A_769 : i32
        %lt3A_771 = arith.constant 0 : i32
        %lt3A_772 = arith.cmpi slt, %rem3A_768, %lt3A_771 : i32
        %lt3A_773 = arith.constant 0 : i32
        %lt3A_774 = arith.cmpi slt, %select_n3A_767, %lt3A_773 : i32
        %ne3A_775 = arith.xori %lt3A_772, %lt3A_774 : i1
        %and3A_776 = arith.andi %ne3A_775, %ne3A_770 : i1
        %add3A_777 = arith.addi %rem3A_768, %select_n3A_767 : i32
        %select_n3A_778 = arith.select %and3A_776, %add3A_777, %rem3A_768 : i32
        %mul3A_779 = arith.constant 64 : i32
        %mul3A_780 = arith.muli %select_n3A_778, %mul3A_779 : i32
        %add3A_781 = arith.addi %mul3A_2, %select_n3A_762 : i32
        %mul3A_782 = arith.constant 128 : i32
        %mul3A_783 = arith.muli %add3A_781, %mul3A_782 : i32
        %add3A_784 = arith.addi %mul3A_783, %mul3A_780 : i32
        %multiple_of3A_785 = tpu.assume_multiple %add3A_784, 64 : i32
        %jit3A_786 = arith.constant 16 : i32
        %div3A_787 = arith.divsi %select_n3A_762, %jit3A_786 : i32
        %sign3A_788 = arith.constant 0 : i32
        %sign3A_789 = arith.cmpi sgt, %select_n3A_762, %sign3A_788 : i32
        %sign3A_790 = arith.extui %sign3A_789 : i1 to i32
        %sign3A_791 = arith.constant 0 : i32
        %sign3A_792 = arith.cmpi slt, %select_n3A_762, %sign3A_791 : i32
        %sign3A_793 = arith.extui %sign3A_792 : i1 to i32
        %sign3A_794 = arith.subi %sign3A_790, %sign3A_793 : i32
        %sign3A_795 = arith.constant 0 : i32
        %sign3A_796 = arith.cmpi sgt, %jit3A_786, %sign3A_795 : i32
        %sign3A_797 = arith.extui %sign3A_796 : i1 to i32
        %sign3A_798 = arith.constant 0 : i32
        %sign3A_799 = arith.cmpi slt, %jit3A_786, %sign3A_798 : i32
        %sign3A_800 = arith.extui %sign3A_799 : i1 to i32
        %sign3A_801 = arith.subi %sign3A_797, %sign3A_800 : i32
        %ne3A_802 = arith.cmpi ne, %sign3A_794, %sign3A_801 : i32
        %rem3A_803 = arith.remsi %select_n3A_762, %jit3A_786 : i32
        %ne3A_804 = arith.constant 0 : i32
        %ne3A_805 = arith.cmpi ne, %rem3A_803, %ne3A_804 : i32
        %and3A_806 = arith.andi %ne3A_802, %ne3A_805 : i1
        %sub3A_807 = arith.constant 1 : i32
        %sub3A_808 = arith.subi %div3A_787, %sub3A_807 : i32
        %select_n3A_809 = arith.select %and3A_806, %sub3A_808, %div3A_787 : i32
        %mul3A_810 = arith.constant 16 : i32
        %mul3A_811 = arith.muli %select_n3A_809, %mul3A_810 : i32
        %multiple_of3A_812 = tpu.assume_multiple %mul3A_811, 16 : i32
        %get3A_813 = arith.index_cast %multiple_of3A_812 : i32 to index
        %get3A_814 = tpu.vector_load %arg27[%get3A_813] {strides = array<i32>} : memref<128xi32, #tpu.memory_space<vmem>>, vector<16xi32>,
        %jit3A_815 = arith.constant 16 : i32
        %eq3A_816 = arith.constant 0 : i32
        %eq3A_817 = arith.cmpi eq, %jit3A_815, %eq3A_816 : i32
        %jit3A_818 = arith.constant 1 : i32
        %select_n3A_819 = arith.select %eq3A_817, %jit3A_818, %jit3A_815 : i32
        %rem3A_820 = arith.remsi %select_n3A_762, %select_n3A_819 : i32
        %ne3A_821 = arith.constant 0 : i32
        %ne3A_822 = arith.cmpi ne, %rem3A_820, %ne3A_821 : i32
        %lt3A_823 = arith.constant 0 : i32
        %lt3A_824 = arith.cmpi slt, %rem3A_820, %lt3A_823 : i32
        %lt3A_825 = arith.constant 0 : i32
        %lt3A_826 = arith.cmpi slt, %select_n3A_819, %lt3A_825 : i32
        %ne3A_827 = arith.xori %lt3A_824, %lt3A_826 : i1
        %and3A_828 = arith.andi %ne3A_827, %ne3A_822 : i1
        %add3A_829 = arith.addi %rem3A_820, %select_n3A_819 : i32
        %select_n3A_830 = arith.select %and3A_828, %add3A_829, %rem3A_820 : i32
        %eq3A_831 = vector.broadcast %select_n3A_830 : i32 to vector<16xi32>
        %eq3A_832 = arith.cmpi eq, %iota3A, %eq3A_831 : vector<16xi32>
        %jit3A_833 = arith.constant 0 : i32
        %broadcast_in_dim3A_834 = vector.broadcast %jit3A_833 : i32 to vector<16xi32>
        %select_n3A_835 = arith.select %eq3A_832, %get3A_814, %broadcast_in_dim3A_834 : vector<16xi1>, vector<16xi32>
        %reduce_sum3A_836 = arith.constant true
        %reduce_sum3A_837 = vector.broadcast %reduce_sum3A_836 : i1 to vector<16xi1>
        %reduce_sum3A_838 = tpu.scan <sum>, %select_n3A_835 masked %reduce_sum3A_837 : vector<16xi32>, vector<16xi1> -> vector<16xi32>
        %reduce_sum3A_839 = vector.extract %reduce_sum3A_838[15] : i32 from vector<16xi32>
        %add3A_840 = arith.addi %mul3A_2, %select_n3A_762 : i32
        %mul3A_841 = arith.constant 128 : i32
        %mul3A_842 = arith.muli %add3A_840, %mul3A_841 : i32
        %and3A_843 = arith.constant 64 : i32
        %and3A_844 = arith.andi %reduce_sum3A_839, %and3A_843 : i32
        %xor3A_845 = arith.xori %mul3A_780, %and3A_844 : i32
        %add3A_846 = arith.addi %mul3A_842, %xor3A_845 : i32
        %multiple_of3A_847 = tpu.assume_multiple %add3A_846, 64 : i32
        %dma_start3A_848 = arith.constant 0 : i32
        %dma_start3A_849 = tpu.memref_slice %arg2[%multiple_of3A_847, %dma_start3A_848] : memref<524288x128xf32, #tpu.memory_space<hbm>> -> memref<64x128xf32, #tpu.memory_space<hbm>>
        %dma_start3A_850 = arith.constant 0 : i32
        %dma_start3A_851 = tpu.memref_slice %arg2[%multiple_of3A_847, %dma_start3A_850] : memref<524288x128xf32, #tpu.memory_space<hbm>> -> memref<64x128xf32, #tpu.memory_space<hbm>>
        tpu.enqueue_dma source(%dma_start3A_851 : memref<64x128xf32, #tpu.memory_space<hbm>>) target(%arg17 : memref<64x128xf32, #tpu.memory_space<vmem>>) target_semaphore(%arg34 : memref<!tpu.dma_semaphore, #tpu.memory_space<semaphore_mem>>)
        %dma_start3A_852 = arith.constant 0 : i32
        %dma_start3A_853 = tpu.memref_slice %arg5[%multiple_of3A_847, %dma_start3A_852] : memref<524288x128xf32, #tpu.memory_space<hbm>> -> memref<64x128xf32, #tpu.memory_space<hbm>>
        %dma_start3A_854 = arith.constant 0 : i32
        %dma_start3A_855 = tpu.memref_slice %arg5[%multiple_of3A_847, %dma_start3A_854] : memref<524288x128xf32, #tpu.memory_space<hbm>> -> memref<64x128xf32, #tpu.memory_space<hbm>>
        tpu.enqueue_dma source(%dma_start3A_855 : memref<64x128xf32, #tpu.memory_space<hbm>>) target(%arg21 : memref<64x128xf32, #tpu.memory_space<vmem>>) target_semaphore(%arg38 : memref<!tpu.dma_semaphore, #tpu.memory_space<semaphore_mem>>)
        %dma_start3A_856 = arith.constant 0 : i32
        %dma_start3A_857 = tpu.memref_slice %arg6[%multiple_of3A_785, %dma_start3A_856] : memref<524288x128xf32, #tpu.memory_space<hbm>> -> memref<64x128xf32, #tpu.memory_space<hbm>>
        %dma_start3A_858 = arith.constant 0 : i32
        %dma_start3A_859 = tpu.memref_slice %arg6[%multiple_of3A_785, %dma_start3A_858] : memref<524288x128xf32, #tpu.memory_space<hbm>> -> memref<64x128xf32, #tpu.memory_space<hbm>>
        tpu.enqueue_dma source(%dma_start3A_859 : memref<64x128xf32, #tpu.memory_space<hbm>>) target(%arg19 : memref<64x128xf32, #tpu.memory_space<vmem>>) target_semaphore(%arg36 : memref<!tpu.dma_semaphore, #tpu.memory_space<semaphore_mem>>)
      } else {
      }
    }
    %scan3A_348 = arith.constant 128 : i32
    %dma_wait3A = arith.constant 0 : i32
    %dma_wait3A_349 = arith.constant 0 : i32
    %dma_wait3A_350 = tpu.memref_slice %arg12[%dma_wait3A, %dma_wait3A_349] : memref<524288x128xf32, #tpu.memory_space<hbm>> -> memref<64x128xf32, #tpu.memory_space<hbm>>
    %dma_wait3A_351 = arith.constant 0 : i32
    %dma_wait3A_352 = arith.constant 0 : i32
    %dma_wait3A_353 = tpu.memref_slice %arg12[%dma_wait3A_351, %dma_wait3A_352] : memref<524288x128xf32, #tpu.memory_space<hbm>> -> memref<64x128xf32, #tpu.memory_space<hbm>>
    tpu.wait_dma2 semaphore(%arg39 : memref<!tpu.dma_semaphore, #tpu.memory_space<semaphore_mem>>) src(%arg22 : memref<64x128xf32, #tpu.memory_space<vmem>>) dst(%dma_wait3A_353 : memref<64x128xf32, #tpu.memory_space<hbm>>)
    %dma_wait3A_354 = arith.constant 0 : i32
    %dma_wait3A_355 = arith.constant 0 : i32
    %dma_wait3A_356 = tpu.memref_slice %arg15[%dma_wait3A_354, %dma_wait3A_355] : memref<524288x128xf32, #tpu.memory_space<hbm>> -> memref<64x128xf32, #tpu.memory_space<hbm>>
    %dma_wait3A_357 = arith.constant 0 : i32
    %dma_wait3A_358 = arith.constant 0 : i32
    %dma_wait3A_359 = tpu.memref_slice %arg15[%dma_wait3A_357, %dma_wait3A_358] : memref<524288x128xf32, #tpu.memory_space<hbm>> -> memref<64x128xf32, #tpu.memory_space<hbm>>
    tpu.wait_dma2 semaphore(%arg41 : memref<!tpu.dma_semaphore, #tpu.memory_space<semaphore_mem>>) src(%arg24 : memref<64x128xf32, #tpu.memory_space<vmem>>) dst(%dma_wait3A_359 : memref<64x128xf32, #tpu.memory_space<hbm>>)
    %dma_wait3A_360 = arith.constant 0 : i32
    %dma_wait3A_361 = arith.constant 0 : i32
    %dma_wait3A_362 = tpu.memref_slice %arg12[%dma_wait3A_360, %dma_wait3A_361] : memref<524288x128xf32, #tpu.memory_space<hbm>> -> memref<64x128xf32, #tpu.memory_space<hbm>>
    %dma_wait3A_363 = arith.constant 0 : i32
    %dma_wait3A_364 = arith.constant 0 : i32
    %dma_wait3A_365 = tpu.memref_slice %arg12[%dma_wait3A_363, %dma_wait3A_364] : memref<524288x128xf32, #tpu.memory_space<hbm>> -> memref<64x128xf32, #tpu.memory_space<hbm>>
    tpu.wait_dma2 semaphore(%arg40 : memref<!tpu.dma_semaphore, #tpu.memory_space<semaphore_mem>>) src(%arg23 : memref<64x128xf32, #tpu.memory_space<vmem>>) dst(%dma_wait3A_365 : memref<64x128xf32, #tpu.memory_space<hbm>>)
    %dma_wait3A_366 = arith.constant 0 : i32
    %dma_wait3A_367 = arith.constant 0 : i32
    %dma_wait3A_368 = tpu.memref_slice %arg15[%dma_wait3A_366, %dma_wait3A_367] : memref<524288x128xf32, #tpu.memory_space<hbm>> -> memref<64x128xf32, #tpu.memory_space<hbm>>
    %dma_wait3A_369 = arith.constant 0 : i32
    %dma_wait3A_370 = arith.constant 0 : i32
    %dma_wait3A_371 = tpu.memref_slice %arg15[%dma_wait3A_369, %dma_wait3A_370] : memref<524288x128xf32, #tpu.memory_space<hbm>> -> memref<64x128xf32, #tpu.memory_space<hbm>>
    tpu.wait_dma2 semaphore(%arg42 : memref<!tpu.dma_semaphore, #tpu.memory_space<semaphore_mem>>) src(%arg25 : memref<64x128xf32, #tpu.memory_space<vmem>>) dst(%dma_wait3A_371 : memref<64x128xf32, #tpu.memory_space<hbm>>)
    return
  }
}

</mosaic_0001>

<sc_bundles>
// kernel: kernel.3.cloned.1.call-start
scs
__scs_entry_jumppad:
0x0: {  	(pc) =	sbr.rel $0x88, $3  }
0x1: {  	(tag) =	ssettag $0x0;
	lr =	simm.s32 $0x1  }
0x2: {  	[smem:$0x3F99] =	sst lr;
	_ =	strace $0xD0000000  }
0x3: {  	_ = 	snop  }
0x4: {  	_ = 	snop  }
0x5: {  	_ = 	snop  }
0x6: {  	_ = 	snop  }
0x7: {  	_ = 	snop  }
__scs_overlays_trampoline_lowered:
0x8: {  	[smem:$0x3FA8] =	sst s0  }
0x9: {  	[smem:$0x3FA9] =	sst s1  }
0xa: {  	[smem:$0x3FAA] =	sst s2  }
0xb: {  	[smem:$0x3FAB] =	sst s3  }
0xc: {  	[smem:$0x3FAC] =	sst s4  }
0xd: {  	[smem:$0x3FAD] =	sst s5  }
0xe: {  	[smem:$0x3FAE] =	sst s6  }
0xf: {  	[smem:$0x3FAF] =	sst s7  }
0x10: {  	[smem:$0x3FB0] =	sst s8  }
0x11: {  	[smem:$0x3FB1] =	sst s9;
	s0 =	simm.s32 @!p0 $0x0  }
0x12: {  	s1 =	sld [smem:$0x3F97];
	s0 =	simm.s32 @p0 $0x1  }
0x13: {  	[smem:$0x3FB2] =	sst s0;
	s0 =	simm.s32 @!p1 $0x0  }
0x14: {  	s2 =	sld [smem:$0x3F96];
	s0 =	simm.s32 @p1 $0x1  }
0x15: {  	[smem:$0x3FB3] =	sst s0;
	s0 =	simm.s32 @!p2 $0x0  }
0x16: {  	s3 =	sld [smem:$0x3FDB];
	s0 =	simm.s32 @p2 $0x1  }
0x17: {  	s4 =	simm.s32 $0x1BF5;
	[smem:$0x3FB5] =	sst s0  }
0x18: {  	s0 =	sld [smem:$0x3F98];
	_ =	swait.ge [sflag:s4], $0x0  }
0x19: {  	s7 =	sld [smem:$0x3F99]  }
0x1a: {  	s8 =	sadd.s32 $0xFFFFE003, lr  }
0x1b: {  	s9 =	sadd.s32 $0xFFFFFEF7, lr;
	s5 =	simm.s32 $0xFFFFFFFF;
	p2 =	slt.u32 s8, $0xFFFFF086  }
0x1c: {  	p1 =	slt.u32 s9, $0xF7A;
	s5 =	simm.s32 @!p2 $0x0  }
0x1d: {  	s5 =	simm.s32 @p1 $0x1;
	p0 =	seq.s32 s7, s2  }
0x1e: {  	s7 =	smul.u32 @!p0 $0xF7A, s2;
	p2 =	seq.s32 @!p0 s5, $0x0  }
0x1f: {  	s9 =	smul.u32 $0xF7A, s1;
	s8 =	simm.s32 @!p0 $0x1BF5;
	p2 =	por !p2, p0  }
0x20: {  	[sflag:s8] =	ssyncset.s32 @!p0 $0xFFFFF086;
	s6 =	sadd.s32 @!p0 s3, s7;
	s7 =	simm.s32 @!p0 $0x108  }
0x21: {  	s3 =	sadd.s32 s3, s9;
	s6 =	sadd.s32 @!p0 $0x88, s6;
	s7 =	simm.s32 @p2 $0x1082  }
0x22: {  	[simem:s7], [sflag:s8] =	dma.local @!p0 [hbm:s6], $0xF7A  }
0x23: {  	s9 =	sor.u32 $0xD0000000, s2;
	s6 =	simm.s32 $0x108;
	_ =	swait.ge @!p0 [sflag:s8], $0x0  }
0x24: {  	s3 =	sadd.s32 $0x88, s3;
	s6 =	simm.s32 @!p1 $0x1082;
	[sflag:s4] =	ssyncset.s32 $0xFFFFF086  }
0x25: {  	[simem:s6], [sflag:s4] =	dma.local [hbm:s3], $0xF7A  }
0x26: {  	[smem:$0x3F99] =	sst s1;
	(tag) =	ssettag s2;
	_ =	strace s9  }
0x27: {  	s1 =	sld [smem:$0x3FA9]  }
0x28: {  	s2 =	sld [smem:$0x3FAA]  }
0x29: {  	s4 =	sld [smem:$0x3FAC]  }
0x2a: {  	p0 =	seq.s32 s5, $0x0;
	s5 =	sld [smem:$0x3FAD]  }
0x2b: {  	s6 =	sld [smem:$0x3FAE]  }
0x2c: {  	s7 =	sld [smem:$0x3FAF]  }
0x2d: {  	s3 =	simm.s32 $0x108;
	s8 =	sld [smem:$0x3FB0]  }
0x2e: {  	s3 =	simm.s32 @!p0 $0x1082;
	s9 =	sld [smem:$0x3FB1]  }
0x2f: {  	lr =	sadd.s32 s0, s3;
	s0 =	sld [smem:$0x3FA8]  }
0x30: {  	s3 =	sld [smem:$0x3FAB]  }
0x31: {  	[smem:$0x3FB4] =	sst s10  }
0x32: {  	s10 =	sld [smem:$0x3FB2];
	_ =	sdelay $0x3  }
0x33: {  	p0 =	seq.s32 s10, $0x1;
	s10 =	sld [smem:$0x3FB4];
	_ =	sdelay $0x3  }
0x34: {  	[smem:$0x3FB4] =	sst s10  }
0x35: {  	s10 =	sld [smem:$0x3FB3];
	_ =	sdelay $0x3  }
0x36: {  	p1 =	seq.s32 s10, $0x1;
	s10 =	sld [smem:$0x3FB4];
	_ =	sdelay $0x3  }
0x37: {  	[smem:$0x3FB4] =	sst s10  }
0x38: {  	s10 =	sld [smem:$0x3FB5]  }
0x39: {  	_ = 	snop;
	(pc) =	sbr.ind lr, $3  }
0x3a: {  	_ = 	snop  }
0x3b: {  	_ = 	snop  }
0x3c: {  	p2 =	seq.s32 s10, $0x1;
	s10 =	sld [smem:$0x3FB4]  }
0x3d: {  	_ =	shalt  }
0x3e: {  	_ =	shalt  }
0x3f: {  	_ =	shalt  }
0x40: {  	_ =	shalt  }
0x41: {  	_ =	shalt  }
0x42: {  	_ =	shalt  }
0x43: {  	_ =	shalt  }
0x44: {  	_ =	shalt  }
0x45: {  	_ =	shalt  }
0x46: {  	_ =	shalt  }
0x47: {  	_ =	shalt  }
0x48: {  	_ =	shalt  }
0x49: {  	_ =	shalt  }
0x4a: {  	_ =	shalt  }
0x4b: {  	_ =	shalt  }
0x4c: {  	_ =	shalt  }
0x4d: {  	_ =	shalt  }
0x4e: {  	_ =	shalt  }
0x4f: {  	_ =	shalt  }
0x50: {  	_ =	shalt  }
0x51: {  	_ =	shalt  }
0x52: {  	_ =	shalt  }
0x53: {  	_ =	shalt  }
0x54: {  	_ =	shalt  }
0x55: {  	_ =	shalt  }
0x56: {  	_ =	shalt  }
0x57: {  	_ =	shalt  }
0x58: {  	_ =	shalt  }
0x59: {  	_ =	shalt  }
0x5a: {  	_ =	shalt  }
0x5b: {  	_ =	shalt  }
0x5c: {  	_ =	shalt  }
0x5d: {  	_ =	shalt  }
0x5e: {  	_ =	shalt  }
0x5f: {  	_ =	shalt  }
0x60: {  	_ =	shalt  }
0x61: {  	_ =	shalt  }
0x62: {  	_ =	shalt  }
0x63: {  	_ =	shalt  }
0x64: {  	_ =	shalt  }
0x65: {  	_ =	shalt  }
0x66: {  	_ =	shalt  }
0x67: {  	_ =	shalt  }
0x68: {  	_ =	shalt  }
0x69: {  	_ =	shalt  }
0x6a: {  	_ =	shalt  }
0x6b: {  	_ =	shalt  }
0x6c: {  	_ =	shalt  }
0x6d: {  	_ =	shalt  }
0x6e: {  	_ =	shalt  }
0x6f: {  	_ =	shalt  }
0x70: {  	_ =	shalt  }
0x71: {  	_ =	shalt  }
0x72: {  	_ =	shalt  }
0x73: {  	_ =	shalt  }
0x74: {  	_ =	shalt  }
0x75: {  	_ =	shalt  }
0x76: {  	_ =	shalt  }
0x77: {  	_ =	shalt  }
0x78: {  	_ =	shalt  }
0x79: {  	_ =	shalt  }
0x7a: {  	_ =	shalt  }
0x7b: {  	_ =	shalt  }
0x7c: {  	_ =	shalt  }
0x7d: {  	_ =	shalt  }
0x7e: {  	_ =	shalt  }
0x7f: {  	_ =	shalt  }
0x80: {  	_ =	shalt  }
0x81: {  	_ =	shalt  }
0x82: {  	_ =	shalt  }
0x83: {  	_ =	shalt  }
0x84: {  	_ =	shalt  }
0x85: {  	_ =	shalt  }
0x86: {  	_ =	shalt  }
0x87: {  	_ =	shalt  }
.Lfunc_end0:
.L_simem_size_0:
called_computation_lowered:
.L_overlay_start_0:
0x88: {  	s2 =	sld [smem:$0x3FD9]  }
0x89: {  	s3 =	sld [smem:$0x3FFE];
	_ =	sdelay $0x1  }
0x8a: {  	s1 =	srdreg.scid  }
0x8b: {  	s0 =	sand.u32 $0x1, s1  }
0x8c: {  	s30 =	sshll.u32 s0, $0xA;
	s2 =	sadd.s32 s3, s2  }
0x8d: {  	s2 =	sadd.s32 s2, s30  }
0x8e: {  	[smem:$0x3FC0] =	sst s2  }
0x8f: {  	_ = 	snop  }
0x90: {  	s2 =	sld [smem:$0x3FC9]  }
0x91: {  	s31 =	sld [smem:$0x3FC8]  }
0x92: {  	s4 =	sld [smem:$0x3FC7]  }
0x93: {  	s5 =	sld [smem:$0x3FD0]  }
0x94: {  	s6 =	sld [smem:$0x3FC6]  }
0x95: {  	s7 =	sld [smem:$0x3FC5]  }
0x96: {  	s9 =	simm.s32 $0xA;
	s10 =	simm.s32 $0x10;
	s8 =	sld [smem:$0x3FC4]  }
0x97: {  	[smem:s10], [sflag:s9] =	dma.local [hbm:s5], $0x1  }
0x98: {  	_ =	swait.eq [sflag:s9], $0x1  }
0x99: {  	s10 =	sld [smem:$0x10]  }
0x9a: {  	s17 =	sld [smem:$0x11];
	[sflag:s9] =	ssyncset.done $0x0  }
0x9b: {  	s11 =	sld [smem:$0x12];
	[sflag:s9] =	ssyncadd.s32 $0xFFFFFFFF  }
0x9c: {  	s18 =	sld [smem:$0x13];
	(tm) =	ssettm $0x1  }
0x9d: {  	s12 =	sld [smem:$0x3FFB];
	_ =	sdelay $0x3  }
0x9e: {  	_ =	strace s12  }
0x9f: {  	s12 =	sld [smem:$0x3FFC];
	_ =	sdelay $0x3  }
0xa0: {  	_ =	strace s12  }
0xa1: {  	s12 =	sld [smem:$0x3FFD];
	_ =	sdelay $0x3  }
0xa2: {  	_ =	strace s12  }
0xa3: {  	_ =	strace $0x8FFFFFFF  }
0xa4: {  	s19 =	sld [smem:$0x3FDB];
	_ =	sdelay $0x1  }
0xa5: {  	s13 =	simm.s32 $_scs_section_size  }
0xa6: {  	s14 =	simm.s32 $_size__tile_overlayer_lowered;
	s15 =	simm.s32 $_tile_overlayer_lowered  }
0xa7: {  	s22 =	simm.s32 $0x1BFF;
	s21 =	sshll.u32 s15, $0x1;
	s12 =	sadd.s32 s13, s19  }
0xa8: {  	s16 =	simm.s32 $0x0;
	s20 =	sshll.u32 s14, $0x1;
	s14 =	sadd.s32 s21, s12  }
0xa9: {  	[timem:s16], [sflag:s22] =	dma.local [hbm:s14], s20  }
0xaa: {  	_ =	swait.ge [sflag:s22], s20  }
0xab: {  	s13 =	ssub.s32 $0x0, s20;
	[sflag:s22] =	ssyncset.done $0x0  }
0xac: {  	[sflag:s22] =	ssyncadd.s32 s13;
	_ =	sdelay $0x1  }
0xad: {  	s23 =	simm.s32 $0x1B8B  }
0xae: {  	_ =	swait.ge [sflag:s23], $0x1  }
0xaf: {  	[sflag:s23] =	ssyncset.done $0x0  }
0xb0: {  	s25 =	simm.s32 $0x1B8E;
	s24 =	sld [smem:$0x3FFE];
	[sflag:s23] =	ssyncadd.s32 $0xFFFFFFFF  }
0xb1: {  	s26 =	simm.s32 $execute0_lowered;
	[smem:$0x3FD2] =	sst s25  }
0xb2: {  	s14 =	sshll.u32 s26, $0x1;
	_ =	strace $0x80000046;
	[dreg:$0x1] =	wrdreg $0xFFFFFFFF  }
0xb3: {  	s28 =	simm.s32 $_size_execute0_lowered;
	s12 =	sadd.s32 s12, s14;
	[dreg:$0x0] =	wrdreg $0x0  }
0xb4: {  	s14 =	sshll.u32 s28, $0x1;
	[dreg:$0x2] =	wrdreg s12  }
0xb5: {  	[dreg:$0x3] =	wrdreg s14  }
0xb6: {  	[dreg:$0x4] =	wrdreg $0xC0  }
0xb7: {  	_ =	task [dreg:s16], $0x5FFFF  }
0xb8: {  	[dreg:$0x1] =	wrdreg $0xFFFFFFFF  }
0xb9: {  	[dreg:$0x0] =	wrdreg $0x60  }
0xba: {  	[dreg:$0x2] =	wrdreg s2  }
0xbb: {  	[dreg:$0x3] =	wrdreg s31  }
0xbc: {  	[dreg:$0x4] =	wrdreg s4  }
0xbd: {  	[dreg:$0x5] =	wrdreg s6  }
0xbe: {  	[dreg:$0x6] =	wrdreg s7  }
0xbf: {  	[dreg:$0x7] =	wrdreg s8  }
0xc0: {  	[dreg:$0x8] =	wrdreg s24  }
0xc1: {  	[dreg:$0x9] =	wrdreg s10  }
0xc2: {  	[dreg:$0xa] =	wrdreg s17  }
0xc3: {  	[dreg:$0xb] =	wrdreg s11  }
0xc4: {  	[dreg:$0xc] =	wrdreg s18  }
0xc5: {  	[dreg:$0xd] =	wrdreg $0x9  }
0xc6: {  	_ =	task.clear_ibuf [dreg:s16], $0xEFFFF;
	_ =	strace $0x90000046  }
0xc7: {  	s29 =	simm.s32 $0x9;
	_ =	strace $0x80000048  }
0xc8: {  	_ =	swait.ge [sflag:s29], $0x1  }
0xc9: {  	[sflag:s29] =	ssyncadd.s32 $0xFFFFFFFF  }
0xca: {  	_ =	strace $0x90000048  }
0xcb: {  	_ =	sfence  }
0xcc: {  	s30 =	sld [smem:$0x0];
	_ =	sdelay $0x2  }
0xcd: {  	s31 =	sshll.u32 s1, $0xD;
	s1 =	sshrl.u32 s1, $0x2  }
0xce: {  	s3 =	sand.u32 $0x4000, s31;
	s1 =	sadd.s32 s1, s30  }
0xcf: {  	s0 =	sor.u32 s3, s0;
	s1 =	sshll.u32 s1, $0x11  }
0xd0: {  	s0 =	sor.u32 s1, s0  }
0xd1: {  	s0 =	sadd.s32 $0x8F2B, s0  }
0xd2: {  	[sflag:s0] =	ssyncadd.remote.s32 $0x1  }
0xd3: {  	_ =	sfence.sel $0xFFFF  }
0xd4: {  	[dreg:$0x0] =	wrdreg $0xFFFFFFFF;
	(pc) =	sbr.abs _section_cstart, $3  }
0xd5: {  	[dreg:$0x1] =	wrdreg $0xFFFFFFFF  }
0xd6: {  	_ =	task.clear_ibuf [dreg:s16], $0x2FFFF;
	_ =	strace $0x9FFFFFFF  }
0xd7: {  	(tm) =	ssettm $0x7FFFFFFF  }
tec
execute0_lowered:
.L_overlay_start_1:
0x0: {  	(tag) =	ssettag $0x1  }
0x1: {  	s0 =	rddreg [dreg:$0x0]  }
0x2: {  	s2 =	rddreg [dreg:$0x1]  }
0x3: {  	s3 =	rddreg [dreg:$0x2]  }
0x4: {  	s1 =	rddreg [dreg:$0x3]  }
0x5: {  	s16 =	rddreg [dreg:$0x4]  }
0x6: {  	s5 =	rddreg [dreg:$0x5]  }
0x7: {  	s8 =	rddreg [dreg:$0x6]  }
0x8: {  	s4 =	rddreg [dreg:$0x7]  }
0x9: {  	s9 =	rddreg [dreg:$0x8]  }
0xa: {  	s10 =	rddreg [dreg:$0x9]  }
0xb: {  	s6 =	rddreg [dreg:$0xa]  }
0xc: {  	s11 =	srdreg.scid;
	s12 =	stileid.u32  }
0xd: {  	s7 =	simm.s32 $0x0;
	s29 =	simm.s32 $0x6000;
	s30 =	simm.s32 $0xE000  }
0xe: {  	s17 =	simm.s32 $0x0;
	s11 =	sand.u32 $0x1, s11;
	s12 =	sshll.u32 s12, $0x1  }
0xf: {  	[smem:$0x7FF] =	sst s7;
	s12 =	sor.u32 s11, s12;
	s11 =	ssub.s32 $0x2, s11  }
0x10: {  	_ =	strace $0x80000047;
	s13 =	sshll.u32 s12, $0x4;
	s14 =	sshrl.u32 s11, $0x1  }
0x11: {  	s25 =	sshll.u32 s12, $0x12;
	s28 =	sshll.u32 s12, $0xE;
	s15 =	sadd.s32 s13, s8  }
0x12: {  	s11 =	ssub.s32 s11, s14;
	s8 =	sshll.u32 s12, $0x7;
	[dreg:$0x16] =	wrdreg s28  }
0x13: {  	s5 =	sadd.s32 s5, s13;
	s2 =	sadd.s32 s2, s13;
	[dreg:$0x14] =	wrdreg s25  }
0x14: {  	s23 =	sadd.s32 s3, s13;
	s24 =	sadd.s32 s9, s13;
	[dreg:$0xc] =	wrdreg s5  }
0x15: {  	s26 =	sadd.s32 s10, s13;
	s3 =	simm.s32 $0x1;
	[dreg:$0x11] =	wrdreg s2  }
0x16: {  	s9 =	simm.s32 $0x3;
	s10 =	simm.s32 $0xC000;
	[dreg:$0x12] =	wrdreg s23  }
0x17: {  	s12 =	simm.s32 $0x2;
	s13 =	simm.s32 $0x6;
	[dreg:$0x13] =	wrdreg s24  }
0x18: {  	s14 =	simm.s32 $0x4;
	s19 =	sadd.s32 $0x1200, s15;
	[dreg:$0x15] =	wrdreg s26  }
0x19: {  	s20 =	sadd.s32 $0x1000, s15;
	s21 =	sadd.s32 $0xE00, s15;
	[dreg:$0xd] =	wrdreg s19  }
.Ltmp0:
0x1a: {  	s22 =	sadd.s32 $0xC00, s15;
	[dreg:$0xe] =	wrdreg s20;
	(pc) =	sbr.rel .LBB2_1-.Ltmp0, $4  }
0x1b: {  	v0 =	vlaneseq.u32;
	s2 =	sadd.s32 s16, s25;
	s31 =	smax.u32 s11, $0x1;
	[dreg:$0xf] =	wrdreg s21  }
0x1c: {  	v1 =	vmul.u32 $0xFFFFFFFF, v0;
	s23 =	simm.s32 $0x14000;
	s26 =	simm.s32 $0x14100;
	[dreg:$0x10] =	wrdreg s22  }
0x1d: {  	s5 =	simm.s32 $0x5;
	s11 =	simm.s32 $0x10000;
	[dreg:$0x17] =	wrdreg s2  }
0x1e: {  	vm0 =	vmmov $0x1;
	v1 =	vadd.s32 $0xF, v1;
	s15 =	simm.s32 $0x12000;
	s21 =	sadd.s32 $0x400, s16;
	[dreg:$0x18] =	wrdreg s31  }
.LBB2_8:
0x1f: {  	s2 =	simm.s32 $0x7  }
0x20: {  	_ =	swait.ge [sflag:s2], $0x2000  }
0x21: {  	[sflag:s2] =	ssyncset.done $0x0  }
0x22: {  	s25 =	simm.s32 $0x9;
	[sflag:s2] =	ssyncadd.s32 $0xFFFFE000  }
0x23: {  	_ =	swait.ge [sflag:s25], $0x2000  }
0x24: {  	[sflag:s25] =	ssyncset.done $0x0  }
0x25: {  	s28 =	simm.s32 $0x8;
	[sflag:s25] =	ssyncadd.s32 $0xFFFFE000  }
0x26: {  	_ =	swait.ge [sflag:s28], $0x2000  }
0x27: {  	[sflag:s28] =	ssyncset.done $0x0  }
0x28: {  	s16 =	simm.s32 $0xA;
	[sflag:s28] =	ssyncadd.s32 $0xFFFFE000  }
0x29: {  	_ =	swait.ge [sflag:s16], $0x2000  }
0x2a: {  	s17 =	rddreg [dreg:$0x19]  }
0x2b: {  	s31 =	rddreg [dreg:$0x18];
	s17 =	sadd.s32 $0x1, s17  }
0x2c: {  	p0 =	sne.s32 s17, s31  }
.Ltmp1:
0x2d: {  	_ = 	snop;
	(pc) =	sbr.rel @!p0 .LBB2_9-.Ltmp1, $3  }
0x2e: {  	_ =	sdelay $0x1  }
0x2f: {  	[sflag:s16] =	ssyncset.done $0x0  }
0x30: {  	[sflag:s16] =	ssyncadd.s32 $0xFFFFE000  }
.LBB2_1:
0x31: {  	[dreg:$0x19] =	wrdreg s17  }
0x32: {  	s2 =	rddreg [dreg:$0xc];
	s16 =	simm.s32 $0xB  }
0x33: {  	[tilespmem:s23], [sflag:$0xB] =	stream.linear.gather [hbm4b:s2+s7], $0x80, $0x38;
	[tilespmem:$0x14380] =	vst v63  }
0x34: {  	_ =	swait.ge [sflag:s16], $0x80  }
0x35: {  	[sflag:s16] =	ssyncset.done $0x0  }
0x36: {  	s24 =	simm.s32 $0x14080;
	s22 =	rddreg [dreg:$0xd];
	[sflag:s16] =	ssyncadd.s32 $0xFFFFFF80  }
0x37: {  	[tilespmem:s24], [sflag:$0xB] =	stream.linear.gather [hbm4b:s22+s7], $0x80, $0x38;
	[tilespmem:$0x14380] =	vst v63  }
0x38: {  	_ =	swait.ge [sflag:s16], $0x80  }
0x39: {  	[sflag:s16] =	ssyncset.done $0x0  }
0x3a: {  	s25 =	rddreg [dreg:$0xe];
	[sflag:s16] =	ssyncadd.s32 $0xFFFFFF80  }
0x3b: {  	[tilespmem:s26], [sflag:$0xB] =	stream.linear.gather [hbm4b:s25+s7], $0x80, $0x38;
	[tilespmem:$0x14380] =	vst v63  }
0x3c: {  	_ =	swait.ge [sflag:s16], $0x80  }
0x3d: {  	[sflag:s16] =	ssyncset.done $0x0  }
0x3e: {  	s31 =	simm.s32 $0x14180;
	s28 =	rddreg [dreg:$0xf];
	[sflag:s16] =	ssyncadd.s32 $0xFFFFFF80  }
0x3f: {  	[tilespmem:s31], [sflag:$0xB] =	stream.linear.gather [hbm4b:s28+s7], $0x80, $0x38;
	[tilespmem:$0x14380] =	vst v63  }
0x40: {  	_ =	swait.ge [sflag:s16], $0x80  }
0x41: {  	[sflag:s16] =	ssyncset.done $0x0  }
0x42: {  	s18 =	simm.s32 $0x14200;
	s17 =	rddreg [dreg:$0x10];
	[sflag:s16] =	ssyncadd.s32 $0xFFFFFF80  }
0x43: {  	[tilespmem:s18], [sflag:$0xB] =	stream.linear.gather [hbm4b:s17+s7], $0x80, $0x38;
	[tilespmem:$0x14380] =	vst v63  }
0x44: {  	_ =	swait.ge [sflag:s16], $0x80  }
0x45: {  	[sflag:s16] =	ssyncset.done $0x0  }
0x46: {  	s20 =	simm.s32 $0x14280;
	s19 =	rddreg [dreg:$0x11];
	[sflag:s16] =	ssyncadd.s32 $0xFFFFFF80  }
0x47: {  	[tilespmem:s20], [sflag:$0xB] =	stream.linear.gather [hbm4b:s19+s7], $0x80, $0x38;
	[tilespmem:$0x14380] =	vst v63  }
0x48: {  	_ =	swait.ge [sflag:s16], $0x80  }
0x49: {  	[sflag:s16] =	ssyncset.done $0x0  }
0x4a: {  	s18 =	simm.s32 $0x14300;
	s22 =	rddreg [dreg:$0x12];
	[sflag:s16] =	ssyncadd.s32 $0xFFFFFF80  }
0x4b: {  	[tilespmem:s18], [sflag:$0xB] =	stream.linear.gather [hbm4b:s22+s7], $0x80, $0x38;
	[tilespmem:$0x14380] =	vst v63  }
0x4c: {  	_ =	swait.ge [sflag:s16], $0x80  }
0x4d: {  	[sflag:s16] =	ssyncset.done $0x0  }
0x4e: {  	[sflag:s16] =	ssyncadd.s32 $0xFFFFFF80  }
0x4f: {  	v2 =	vld [tilespmem:$0x14280]  }
0x50: {  	v3 =	vld [tilespmem:$0x14180]  }
0x51: {  	v4 =	vld [tilespmem:$0x14300]  }
0x52: {  	v5 =	vld [tilespmem:$0x14200]  }
0x53: {  	v6 =	vld [tilespmem:$0x14290]  }
0x54: {  	v7 =	vld [tilespmem:$0x14190]  }
0x55: {  	v8 =	vld [tilespmem:$0x14310]  }
0x56: {  	v9 =	vld [tilespmem:$0x14210]  }
0x57: {  	v10 =	vld [tilespmem:$0x142A0]  }
0x58: {  	v11 =	vld [tilespmem:$0x141A0]  }
0x59: {  	v12 =	vld [tilespmem:$0x14320]  }
0x5a: {  	v13 =	vld [tilespmem:$0x14220]  }
0x5b: {  	v14 =	vld [tilespmem:$0x142B0]  }
0x5c: {  	v15 =	vld [tilespmem:$0x141B0]  }
0x5d: {  	v16 =	vld [tilespmem:$0x14330]  }
0x5e: {  	v17 =	vld [tilespmem:$0x14230]  }
0x5f: {  	v18 =	vld [tilespmem:$0x142C0]  }
0x60: {  	v19 =	vld [tilespmem:$0x141C0]  }
0x61: {  	v20 =	vld [tilespmem:$0x14340]  }
0x62: {  	v21 =	vld [tilespmem:$0x14240]  }
0x63: {  	v22 =	vld [tilespmem:$0x142D0]  }
0x64: {  	v49 =	vld [tilespmem:$0x14350];
	v2 =	vmul.f32 v3, v2  }
0x65: {  	v50 =	vld [tilespmem:$0x14250];
	v4 =	vmul.f32 v5, v4  }
0x66: {  	v52 =	vld [tilespmem:$0x142E0];
	[tilespmem:$0x14280] =	vst v2;
	v2 =	vmul.f32 v7, v6  }
0x67: {  	v53 =	vld [tilespmem:$0x141E0];
	v51 =	vmul.f32 v9, v8;
	[tilespmem:$0x14300] =	vst v4  }
0x68: {  	v55 =	vld [tilespmem:$0x14360];
	[tilespmem:$0x14290] =	vst v2;
	v2 =	vmul.f32 v11, v10  }
0x69: {  	v3 =	vld [tilespmem:$0x141D0];
	v54 =	vmul.f32 v13, v12;
	[tilespmem:$0x14310] =	vst v51  }
0x6a: {  	v56 =	vld [tilespmem:$0x14260];
	[tilespmem:$0x142A0] =	vst v2;
	v2 =	vmul.f32 v15, v14  }
0x6b: {  	v58 =	vld [tilespmem:$0x142F0];
	v57 =	vmul.f32 v17, v16;
	[tilespmem:$0x14320] =	vst v54  }
0x6c: {  	v59 =	vld [tilespmem:$0x141F0];
	[tilespmem:$0x142B0] =	vst v2;
	v2 =	vmul.f32 v19, v18  }
0x6d: {  	v61 =	vld [tilespmem:$0x14370];
	v60 =	vmul.f32 v21, v20;
	[tilespmem:$0x14330] =	vst v57  }
0x6e: {  	[tilespmem:$0x142C0] =	vst v2;
	v2 =	vmul.f32 v3, v22;
	v3 =	vld [tilespmem:$0x14270]  }
0x6f: {  	v62 =	vmul.f32 v50, v49;
	[tilespmem:$0x14340] =	vst v60  }
0x70: {  	[tilespmem:$0x142D0] =	vst v2;
	v2 =	vmul.f32 v53, v52  }
0x71: {  	v63 =	vmul.f32 v56, v55;
	[tilespmem:$0x14350] =	vst v62  }
0x72: {  	[tilespmem:$0x142E0] =	vst v2;
	v2 =	vmul.f32 v59, v58  }
0x73: {  	[tilespmem:$0x14360] =	vst v63;
	v3 =	vmul.f32 v3, v61  }
0x74: {  	[tilespmem:$0x142F0] =	vst v2  }
0x75: {  	s24 =	rddreg [dreg:$0x13];
	[tilespmem:$0x14370] =	vst v3  }
0x76: {  	[hbm4b:s24+s7] =	stream.linear.scatter [tilespmem:s20], [sflag:$0xB], $0x80, $0x38;
	[tilespmem:$0x14380] =	vst v63  }
0x77: {  	_ =	swait.ge [sflag:s16], $0x80  }
0x78: {  	[sflag:s16] =	ssyncset.done $0x0  }
0x79: {  	s25 =	rddreg [dreg:$0x15];
	[sflag:s16] =	ssyncadd.s32 $0xFFFFFF80  }
0x7a: {  	[hbm4b:s25+s7] =	stream.linear.scatter [tilespmem:s18], [sflag:$0xB], $0x80, $0x38;
	[tilespmem:$0x14380] =	vst v63  }
0x7b: {  	_ =	swait.ge [sflag:s16], $0x80  }
0x7c: {  	[sflag:s16] =	ssyncset.done $0x0  }
0x7d: {  	[sflag:s16] =	ssyncadd.s32 $0xFFFFFF80  }
0x7e: {  	v2 =	vld [tilespmem:$0x14080];
	_ =	sdelay $0x4  }
0x7f: {  	v2 =	vnsel vm0, $0x0, v2  }
0x80: {  	(xrf0) =	vadd.scan.msk.s32 $0xffff, v2;
	_ =	sdelay $0x5  }
0x81: {  	v2, _, _ =	vpop (xrf0)  }
0x82: {  	(v2sf) =	vpush v2, $0xF;
	_ =	sdelay $0xe  }
0x83: {  	s28 =	spop (v2sf)  }
0x84: {  	s31 =	rddreg [dreg:$0x16];
	s2 =	sand.u32 $0x40, s28  }
0x85: {  	s2 =	sor.u32 s31, s2  }
0x86: {  	s2 =	sshll.u32 s2, $0x4  }
0x87: {  	s18 =	sadd.s32 s0, s2  }
0x88: {  	[tilespmem:s7], [sflag:$0x1] =	stream.linear.gather [hbm4b:s18+s7], $0x2000, $0x38;
	[tilespmem:$0x14380] =	vst v63  }
0x89: {  	s19 =	simm.s32 $0x8000;
	s2 =	sadd.s32 s1, s2  }
0x8a: {  	[tilespmem:s19], [sflag:$0x5] =	stream.linear.gather [hbm4b:s2+s7], $0x2000, $0x38;
	[tilespmem:$0x14380] =	vst v63  }
0x8b: {  	s22 =	simm.s32 $0x4000;
	s20 =	rddreg [dreg:$0x17]  }
0x8c: {  	[tilespmem:s22], [sflag:$0x3] =	stream.linear.gather [hbm4b:s20+s7], $0x2000, $0x38;
	[tilespmem:$0x14380] =	vst v63  }
0x8d: {  	v2 =	vld [tilespmem:$0x14080];
	_ =	sdelay $0x4  }
0x8e: {  	v2 =	vnsel vm0, $0x0, v2  }
0x8f: {  	(xrf0) =	vadd.scan.msk.s32 $0xffff, v2;
	_ =	sdelay $0x5  }
0x90: {  	v2, _, _ =	vpop (xrf0)  }
0x91: {  	(v2sf) =	vpush v2, $0xF;
	_ =	sdelay $0xe  }
0x92: {  	s24 =	spop (v2sf)  }
0x93: {  	s2 =	sand.u32 $0x40, s24  }
0x94: {  	s2 =	sor.u32 s31, s2  }
0x95: {  	s2 =	sshll.u32 s2, $0x4  }
0x96: {  	s2 =	sand.u32 $0x7C0400, s2  }
0x97: {  	s2 =	sxor.u32 $0x400, s2  }
0x98: {  	s28 =	simm.s32 $0x2000;
	s25 =	sadd.s32 s0, s2  }
0x99: {  	[tilespmem:s28], [sflag:$0x2] =	stream.linear.gather [hbm4b:s25+s7], $0x2000, $0x38;
	[tilespmem:$0x14380] =	vst v63  }
0x9a: {  	s31 =	simm.s32 $0xA000;
	s2 =	sadd.s32 s1, s2  }
0x9b: {  	[tilespmem:s31], [sflag:$0x6] =	stream.linear.gather [hbm4b:s2+s7], $0x2000, $0x38;
	[tilespmem:$0x14380] =	vst v63  }
0x9c: {  	s17 =	simm.s32 $0x0;
	s2 =	rddreg [dreg:$0x14]  }
.LBB2_2:
0x9d: {  	s2 =	sadd.s32 s2, s21  }
0x9e: {  	[tilespmem:s29], [sflag:$0x4] =	stream.linear.gather [hbm4b:s2+s7], $0x2000, $0x38;
	[tilespmem:$0x14380] =	vst v63  }
0x9f: {  	_ =	swait.ge [sflag:s3], $0x2000  }
0xa0: {  	[sflag:s3] =	ssyncset.done $0x0  }
0xa1: {  	[sflag:s3] =	ssyncadd.s32 $0xFFFFE000  }
0xa2: {  	_ =	swait.ge [sflag:s5], $0x2000  }
0xa3: {  	[sflag:s5] =	ssyncset.done $0x0  }
0xa4: {  	[sflag:s5] =	ssyncadd.s32 $0xFFFFE000  }
0xa5: {  	_ =	swait.ge [sflag:s9], $0x2000  }
0xa6: {  	p0 =	seq.s32 s17, $0x0;
	[sflag:s9] =	ssyncset.done $0x0  }
0xa7: {  	s2 =	simm.s32 @!p0 $0x7;
	[sflag:s9] =	ssyncadd.s32 $0xFFFFE000  }
0xa8: {  	_ =	swait.ge @!p0 [sflag:s2], $0x2000  }
0xa9: {  	[sflag:s2] =	ssyncset.done @!p0 $0x0  }
0xaa: {  	[sflag:s2] =	ssyncadd.s32 @!p0 $0xFFFFE000;
	s2 =	simm.s32 @!p0 $0x9  }
0xab: {  	s16 =	sshll.u32 s17, $0x2;
	_ =	swait.ge @!p0 [sflag:s2], $0x2000  }
0xac: {  	s16 =	sand.u32 $0x1C0, s16;
	[sflag:s2] =	ssyncset.done @!p0 $0x0  }
0xad: {  	s31 =	sshrl.u32 s16, $0x2;
	[sflag:s2] =	ssyncadd.s32 @!p0 $0xFFFFE000  }
0xae: {  	v2 =	vld [tilespmem:s31+$0x14080];
	_ =	sdelay $0x1  }
0xaf: {  	s24 =	sand.u32 $0xF, s17  }
0xb0: {  	v3 =	vmov s24  }
0xb1: {  	vm1 =	veq.s32 v3, v0  }
0xb2: {  	v2 =	vnsel vm1, $0x0, v2  }
0xb3: {  	(xrf0) =	vadd.scan.msk.s32 $0xffff, v2;
	_ =	sdelay $0x5  }
0xb4: {  	v2, _, _ =	vpop (xrf0)  }
0xb5: {  	(v2sf) =	vpush v2, $0xF;
	_ =	sdelay $0xb  }
0xb6: {  	v2 =	vmov s17;
	_ =	sdelay $0x2  }
0xb7: {  	s18 =	simm.s32 $0x4040;
	s25 =	spop (v2sf)  }
0xb8: {  	s28 =	simm.s32 $0x0;
	v6 =	vld [tilespmem:s18+$0xFFFFFFC0];
	s16 =	sand.u32 $0x3F, s25  }
0xb9: {  	v3 =	vld.idx.msk [tilespmem:v2+s23+$0x0], $0xffff;
	s2 =	sxor.u32 s16, s28  }
0xba: {  	v5 =	vld.idx.msk [tilespmem:v2+s26+$0x0], $0xffff;
	s2 =	sshll.u32 s2, $0x7  }
0xbb: {  	v7 =	vld [tilespmem:s2+$0x8070]  }
0xbc: {  	v8 =	vld [tilespmem:s2+$0x60]  }
0xbd: {  	v9 =	vld [tilespmem:s2+$0x8050]  }
0xbe: {  	v11 =	vld [tilespmem:s2+$0x70]  }
0xbf: {  	v10 =	vld [tilespmem:s2+$0x0]  }
0xc0: {  	v12 =	vld [tilespmem:s2+$0x8020]  }
0xc1: {  	v13 =	vld [tilespmem:s2+$0x50]  }
0xc2: {  	v14 =	vld [tilespmem:s2+$0x8000]  }
0xc3: {  	v15 =	vld [tilespmem:s2+$0x40];
	v17 =	vperm.xlane v11, v1  }
0xc4: {  	v4 =	vsub.f32 $1.000000000e+00, v3;
	vm2 =	veq.s32 v5, $0x0;
	v16 =	vld [tilespmem:s2+$0x30]  }
0xc5: {  	v5 =	vld [tilespmem:s2+$0x20];
	v17 =	vsel vm2, v10, v17  }
0xc6: {  	v6 =	vmul.f32 v6, v3;
	v18 =	vld [tilespmem:s2+$0x10];
	v17 =	vmul.f32 v17, v4  }
0xc7: {  	v19 =	vld [tilespmem:s2+$0x8010]  }
0xc8: {  	v20 =	vld [tilespmem:s2+$0x8030];
	v21 =	vperm.xlane v7, v1;
	v6 =	vadd.f32 v6, v17  }
0xc9: {  	s20 =	simm.s32 $0xC040;
	v22 =	vld [tilespmem:s2+$0x8040]  }
0xca: {  	s19 =	simm.s32 $0x10040;
	v53 =	vld [tilespmem:s2+$0x8060];
	v21 =	vsel vm2, v14, v21;
	[tilespmem:s20+$0xFFFFFFC0] =	vst v6  }
0xcb: {  	[tilespmem:s19+$0xFFFFFFC0] =	vst v21  }
0xcc: {  	v6 =	vld [tilespmem:s18+$0xFFFFFFD0];
	_ =	sdelay $0x1  }
0xcd: {  	v54 =	vperm.xlane v8, v1;
	_ =	sdelay $0x1  }
0xce: {  	v21 =	vsel vm2, v18, v54  }
0xcf: {  	v21 =	vmul.f32 v21, v4;
	v6 =	vmul.f32 v6, v3;
	_ =	sdelay $0x1  }
0xd0: {  	v23 =	vperm.xlane v53, v1;
	v6 =	vadd.f32 v6, v21;
	_ =	sdelay $0x1  }
0xd1: {  	v55 =	vsel vm2, v19, v23;
	[tilespmem:s20+$0xFFFFFFD0] =	vst v6  }
0xd2: {  	[tilespmem:s19+$0xFFFFFFD0] =	vst v55  }
0xd3: {  	v6 =	vld [tilespmem:s18+$0xFFFFFFE0];
	_ =	sdelay $0x1  }
0xd4: {  	v56 =	vperm.xlane v13, v1;
	_ =	sdelay $0x1  }
0xd5: {  	v21 =	vsel vm2, v5, v56  }
0xd6: {  	v21 =	vmul.f32 v21, v4;
	v6 =	vmul.f32 v6, v3;
	_ =	sdelay $0x1  }
0xd7: {  	v57 =	vperm.xlane v9, v1;
	v6 =	vadd.f32 v6, v21;
	_ =	sdelay $0x1  }
0xd8: {  	v58 =	vsel vm2, v12, v57;
	[tilespmem:s20+$0xFFFFFFE0] =	vst v6  }
0xd9: {  	[tilespmem:s19+$0xFFFFFFE0] =	vst v58  }
0xda: {  	v6 =	vld [tilespmem:s18+$0xFFFFFFF0];
	_ =	sdelay $0x1  }
0xdb: {  	v59 =	vperm.xlane v15, v1;
	_ =	sdelay $0x1  }
0xdc: {  	v21 =	vsel vm2, v16, v59  }
0xdd: {  	v21 =	vmul.f32 v21, v4;
	v6 =	vmul.f32 v6, v3;
	_ =	sdelay $0x1  }
0xde: {  	v60 =	vperm.xlane v22, v1;
	v6 =	vadd.f32 v6, v21;
	_ =	sdelay $0x1  }
0xdf: {  	v61 =	vsel vm2, v20, v60;
	[tilespmem:s20+$0xFFFFFFF0] =	vst v6  }
0xe0: {  	[tilespmem:s19+$0xFFFFFFF0] =	vst v61  }
0xe1: {  	v6 =	vld [tilespmem:s18+$0x0];
	_ =	sdelay $0x1  }
0xe2: {  	v16 =	vperm.xlane v16, v1;
	_ =	sdelay $0x1  }
0xe3: {  	v15 =	vsel vm2, v15, v16  }
0xe4: {  	v15 =	vmul.f32 v15, v4;
	v6 =	vmul.f32 v6, v3;
	_ =	sdelay $0x1  }
0xe5: {  	v62 =	vperm.xlane v20, v1;
	v6 =	vadd.f32 v6, v15;
	_ =	sdelay $0x1  }
0xe6: {  	v63 =	vsel vm2, v22, v62;
	[tilespmem:s20+$0x0] =	vst v6  }
0xe7: {  	[tilespmem:s19+$0x0] =	vst v63  }
0xe8: {  	v6 =	vld [tilespmem:s18+$0x10];
	_ =	sdelay $0x1  }
0xe9: {  	v5 =	vperm.xlane v5, v1;
	_ =	sdelay $0x1  }
0xea: {  	v5 =	vsel vm2, v13, v5  }
0xeb: {  	v5 =	vmul.f32 v5, v4;
	v6 =	vmul.f32 v6, v3;
	_ =	sdelay $0x1  }
0xec: {  	v12 =	vperm.xlane v12, v1;
	v5 =	vadd.f32 v6, v5;
	_ =	sdelay $0x1  }
0xed: {  	v6 =	vsel vm2, v9, v12;
	[tilespmem:s20+$0x10] =	vst v5  }
0xee: {  	[tilespmem:s19+$0x10] =	vst v6  }
0xef: {  	v5 =	vld [tilespmem:s18+$0x20];
	_ =	sdelay $0x1  }
0xf0: {  	v6 =	vperm.xlane v18, v1;
	_ =	sdelay $0x1  }
0xf1: {  	v6 =	vsel vm2, v8, v6  }
0xf2: {  	v6 =	vmul.f32 v6, v4;
	v5 =	vmul.f32 v5, v3;
	_ =	sdelay $0x1  }
0xf3: {  	v8 =	vperm.xlane v19, v1;
	v5 =	vadd.f32 v5, v6;
	_ =	sdelay $0x1  }
0xf4: {  	v6 =	vsel vm2, v53, v8;
	[tilespmem:s20+$0x20] =	vst v5  }
0xf5: {  	[tilespmem:s19+$0x20] =	vst v6  }
0xf6: {  	v8 =	vld [tilespmem:s18+$0x30];
	_ =	sdelay $0x1  }
0xf7: {  	v5 =	vperm.xlane v10, v1  }
0xf8: {  	v6 =	vperm.xlane v14, v1  }
0xf9: {  	s22 =	sshll.u32 s17, $0x1;
	v5 =	vsel vm2, v11, v5  }
0xfa: {  	s24 =	simm.s32 $0x1;
	s25 =	simm.s32 $0xC040;
	s2 =	simm.s32 $0x10040;
	v6 =	vsel vm2, v7, v6;
	v5 =	vmul.f32 v5, v4;
	v7 =	vmul.f32 v8, v3  }
.LBB2_3:
0xfb: {  	s20 =	sadd.s32 $0x80, s20;
	s19 =	sadd.s32 $0x80, s19;
	s18 =	sadd.s32 $0x80, s18  }
0xfc: {  	p1 =	sne.s32 s24, $0x3F;
	s28 =	smov.u32 s24;
	s24 =	sadd.s32 $0x1, s24;
	v5 =	vadd.f32 v7, v5  }
0xfd: {  	_ = 	snop  }
0xfe: {  	[tilespmem:s25+$0x30] =	vst v5;
	s25 =	smov.u32 s20  }
0xff: {  	s28 =	sxor.u32 s16, s28;
	[tilespmem:s2+$0x30] =	vst v6;
	s2 =	smov.u32 s19  }
0x100: {  	s28 =	sshll.u32 s28, $0x7;
	v6 =	vld [tilespmem:s18+$0xFFFFFFC0]  }
0x101: {  	v8 =	vld [tilespmem:s28+$0x8070]  }
0x102: {  	v9 =	vld [tilespmem:s28+$0x60]  }
0x103: {  	v10 =	vld [tilespmem:s28+$0x8050]  }
0x104: {  	v7 =	vld [tilespmem:s28+$0x0]  }
0x105: {  	v5 =	vld [tilespmem:s28+$0x70]  }
0x106: {  	v11 =	vld [tilespmem:s28+$0x8020]  }
0x107: {  	v12 =	vld [tilespmem:s28+$0x50]  }
0x108: {  	v13 =	vld [tilespmem:s28+$0x8000]  }
0x109: {  	v14 =	vld [tilespmem:s28+$0x40];
	v15 =	vperm.xlane v7, v1  }
0x10a: {  	v16 =	vld [tilespmem:s28+$0x30];
	v17 =	vperm.xlane v5, v1  }
0x10b: {  	v19 =	vperm.xlane v8, v1;
	v18 =	vld [tilespmem:s28+$0x20];
	v20 =	vperm.xlane v11, v1;
	v5 =	vsel vm2, v5, v15  }
0x10c: {  	v6 =	vmul.f32 v6, v3;
	v15 =	vld [tilespmem:s28+$0x10];
	v17 =	vsel vm2, v7, v17  }
0x10d: {  	v7 =	vld [tilespmem:s28+$0x8010];
	v19 =	vsel vm2, v13, v19;
	v17 =	vmul.f32 v17, v4;
	v20 =	vsel vm2, v10, v20  }
0x10e: {  	v22 =	vperm.xlane v12, v1;
	v21 =	vld [tilespmem:s28+$0x8030];
	v23 =	vperm.xlane v14, v1  }
0x10f: {  	v24 =	vld [tilespmem:s28+$0x8040];
	v6 =	vadd.f32 v6, v17;
	v17 =	vperm.xlane v9, v1;
	v25 =	vperm.xlane v16, v1  }
0x110: {  	v26 =	vld [tilespmem:s28+$0x8060];
	v22 =	vsel vm2, v18, v22;
	v16 =	vsel vm2, v16, v23;
	v18 =	vperm.xlane v18, v1  }
0x111: {  	[tilespmem:s20+$0xFFFFFFC0] =	vst v6;
	v17 =	vsel vm2, v15, v17;
	v14 =	vsel vm2, v14, v25;
	v6 =	vperm.xlane v15, v1  }
0x112: {  	v13 =	vperm.xlane v13, v1;
	[tilespmem:s19+$0xFFFFFFC0] =	vst v19;
	v12 =	vsel vm2, v12, v18  }
0x113: {  	v15 =	vld [tilespmem:s18+$0xFFFFFFD0];
	v18 =	vperm.xlane v21, v1;
	v9 =	vsel vm2, v9, v6  }
0x114: {  	v6 =	vsel vm2, v8, v13;
	v19 =	vperm.xlane v24, v1  }
0x115: {  	v8 =	vsel vm2, v24, v18  }
0x116: {  	v13 =	vsel vm2, v21, v19  }
0x117: {  	v17 =	vmul.f32 v17, v4  }
0x118: {  	v15 =	vmul.f32 v15, v3  }
0x119: {  	v18 =	vperm.xlane v26, v1  }
0x11a: {  	v15 =	vadd.f32 v15, v17  }
0x11b: {  	v17 =	vsel vm2, v7, v18  }
0x11c: {  	[tilespmem:s20+$0xFFFFFFD0] =	vst v15  }
0x11d: {  	[tilespmem:s19+$0xFFFFFFD0] =	vst v17  }
0x11e: {  	v15 =	vld [tilespmem:s18+$0xFFFFFFE0];
	_ =	sdelay $0x3  }
0x11f: {  	v17 =	vmul.f32 v22, v4  }
0x120: {  	v15 =	vmul.f32 v15, v3  }
0x121: {  	v10 =	vperm.xlane v10, v1  }
0x122: {  	v15 =	vadd.f32 v15, v17  }
0x123: {  	v10 =	vsel vm2, v11, v10  }
0x124: {  	[tilespmem:s20+$0xFFFFFFE0] =	vst v15  }
0x125: {  	[tilespmem:s19+$0xFFFFFFE0] =	vst v10  }
0x126: {  	v10 =	vld [tilespmem:s18+$0xFFFFFFF0];
	_ =	sdelay $0x3  }
0x127: {  	v11 =	vmul.f32 v16, v4  }
0x128: {  	v10 =	vmul.f32 v10, v3;
	_ =	sdelay $0x1  }
0x129: {  	v10 =	vadd.f32 v10, v11;
	_ =	sdelay $0x1  }
0x12a: {  	[tilespmem:s20+$0xFFFFFFF0] =	vst v10  }
0x12b: {  	[tilespmem:s19+$0xFFFFFFF0] =	vst v13  }
0x12c: {  	v10 =	vld [tilespmem:s18+$0x0];
	_ =	sdelay $0x3  }
0x12d: {  	v11 =	vmul.f32 v14, v4  }
0x12e: {  	v10 =	vmul.f32 v10, v3;
	_ =	sdelay $0x1  }
0x12f: {  	v10 =	vadd.f32 v10, v11;
	_ =	sdelay $0x1  }
0x130: {  	[tilespmem:s20+$0x0] =	vst v10  }
0x131: {  	[tilespmem:s19+$0x0] =	vst v8  }
0x132: {  	v8 =	vld [tilespmem:s18+$0x10];
	_ =	sdelay $0x3  }
0x133: {  	v10 =	vmul.f32 v12, v4  }
0x134: {  	v8 =	vmul.f32 v8, v3;
	_ =	sdelay $0x1  }
0x135: {  	v8 =	vadd.f32 v8, v10;
	_ =	sdelay $0x1  }
0x136: {  	[tilespmem:s20+$0x10] =	vst v8  }
0x137: {  	[tilespmem:s19+$0x10] =	vst v20  }
0x138: {  	v8 =	vld [tilespmem:s18+$0x20];
	_ =	sdelay $0x3  }
0x139: {  	v9 =	vmul.f32 v9, v4  }
0x13a: {  	v8 =	vmul.f32 v8, v3  }
0x13b: {  	v7 =	vperm.xlane v7, v1  }
0x13c: {  	v8 =	vadd.f32 v8, v9  }
0x13d: {  	v7 =	vsel vm2, v26, v7  }
0x13e: {  	[tilespmem:s20+$0x20] =	vst v8  }
0x13f: {  	[tilespmem:s19+$0x20] =	vst v7  }
0x140: {  	v7 =	vld [tilespmem:s18+$0x30]  }
.Ltmp2:
0x141: {  	(pc) =	sbr.rel @p1 .LBB2_3-.Ltmp2, $3  }
0x142: {  	_ =	sdelay $0x1  }
0x143: {  	v5 =	vmul.f32 v5, v4  }
0x144: {  	v7 =	vmul.f32 v7, v3  }
0x145: {  	_ = 	snop  }
0x146: {  	v3 =	vadd.f32 v7, v5  }
0x147: {  	s16 =	sadd.s32 s8, s17  }
0x148: {  	p1 =	seq.s32 s17, $0x7F;
	s16 =	sshll.u32 s16, $0xB;
	[tilespmem:s25+$0x30] =	vst v3  }
0x149: {  	s20 =	sadd.s32 s4, s16;
	[tilespmem:s2+$0x30] =	vst v6;
	s2 =	sadd.s32 @!p1 $0x2, s22  }
0x14a: {  	[hbm4b:s20+s7] =	stream.linear.scatter [tilespmem:s10], [sflag:$0x7], $0x2000, $0x38;
	[tilespmem:$0x14380] =	vst v63  }
0x14b: {  	s2 =	sshrl.u32 @!p1 s2, $0x1  }
0x14c: {  	s24 =	sadd.s32 s6, s16;
	s18 =	sand.u32 @!p1 $0xF0, s2  }
0x14d: {  	[hbm4b:s24+s7] =	stream.linear.scatter [tilespmem:s11], [sflag:$0x9], $0x2000, $0x38;
	[tilespmem:$0x14380] =	vst v63  }
0x14e: {  	v3 =	vld @!p1 [tilespmem:s18+$0x14080];
	_ =	sdelay $0x1  }
0x14f: {  	s18 =	sand.u32 @!p1 $0xF, s2  }
0x150: {  	v5 =	vlaneseq.u32 @!p1;
	v4 =	vmov @!p1 s18  }
0x151: {  	vm2 =	veq.s32 @!p1 v4, v5  }
0x152: {  	v3 =	vnsel @!p1 vm2, $0x0, v3  }
0x153: {  	(xrf0) =	vadd.scan.msk.s32 @!p1 $0xffff, v3;
	_ =	sdelay $0x5  }
0x154: {  	v3, _, _ =	vpop @!p1 (xrf0)  }
0x155: {  	(v2sf) =	vpush @!p1 v3, $0xF;
	_ =	sdelay $0xe  }
0x156: {  	s18 =	spop @!p1 (v2sf)  }
0x157: {  	s2 =	sadd.s32 @!p1 s8, s2;
	s18 =	sshll.u32 @!p1 s18, $0x4  }
0x158: {  	s2 =	sshll.u32 @!p1 s2, $0xB;
	s18 =	sand.u32 @!p1 $0x400, s18  }
0x159: {  	s18 =	sor.u32 @!p1 s2, s18  }
0x15a: {  	s20 =	simm.s32 @!p1 $0x0;
	s19 =	sadd.s32 @!p1 s0, s18  }
0x15b: {  	[tilespmem:s20], [sflag:$0x1] =	stream.linear.gather @!p1 [hbm4b:s19+s20], $0x2000, $0x38;
	[tilespmem:$0x14380] =	vst v63  }
0x15c: {  	s18 =	sadd.s32 @!p1 s1, s18;
	s19 =	simm.s32 @!p1 $0x8000  }
0x15d: {  	[tilespmem:s19], [sflag:$0x5] =	stream.linear.gather @!p1 [hbm4b:s18+s20], $0x2000, $0x38;
	[tilespmem:$0x14380] =	vst v63  }
0x15e: {  	s2 =	sand.u32 @!p1 $0x1FFFF800, s2;
	s18 =	rddreg [dreg:$0x4]  }
0x15f: {  	s2 =	sadd.s32 @!p1 s18, s2;
	s18 =	simm.s32 @!p1 $0x4000  }
0x160: {  	[tilespmem:s18], [sflag:$0x3] =	stream.linear.gather @!p1 [hbm4b:s2+s20], $0x2000, $0x38;
	[tilespmem:$0x14380] =	vst v63  }
0x161: {  	_ =	swait.ge [sflag:s12], $0x2000  }
0x162: {  	[sflag:s12] =	ssyncset.done $0x0  }
0x163: {  	[sflag:s12] =	ssyncadd.s32 $0xFFFFE000  }
0x164: {  	_ =	swait.ge [sflag:s13], $0x2000  }
0x165: {  	[sflag:s13] =	ssyncset.done $0x0  }
0x166: {  	[sflag:s13] =	ssyncadd.s32 $0xFFFFE000  }
0x167: {  	_ =	swait.ge [sflag:s14], $0x2000  }
0x168: {  	[sflag:s14] =	ssyncset.done $0x0  }
0x169: {  	s2 =	simm.s32 @!p0 $0x8;
	[sflag:s14] =	ssyncadd.s32 $0xFFFFE000  }
0x16a: {  	_ =	swait.ge @!p0 [sflag:s2], $0x2000  }
0x16b: {  	[sflag:s2] =	ssyncset.done @!p0 $0x0  }
0x16c: {  	[sflag:s2] =	ssyncadd.s32 @!p0 $0xFFFFE000;
	s2 =	simm.s32 @!p0 $0xA  }
0x16d: {  	_ =	swait.ge @!p0 [sflag:s2], $0x2000  }
0x16e: {  	[sflag:s2] =	ssyncset.done @!p0 $0x0  }
0x16f: {  	[sflag:s2] =	ssyncadd.s32 @!p0 $0xFFFFE000  }
0x170: {  	v3 =	vld [tilespmem:s31+$0x14080];
	_ =	sdelay $0x4  }
0x171: {  	v3 =	vnsel vm1, $0x0, v3  }
0x172: {  	(xrf0) =	vadd.scan.msk.s32 $0xffff, v3;
	_ =	sdelay $0x5  }
0x173: {  	v3, _, _ =	vpop (xrf0)  }
0x174: {  	(v2sf) =	vpush v3, $0xF;
	_ =	sdelay $0xe  }
0x175: {  	s25 =	spop (v2sf)  }
0x176: {  	s28 =	simm.s32 $0x0;
	s18 =	simm.s32 $0x6040;
	v4 =	vld.idx.msk [tilespmem:v2+s26+$0x0], $0xffff;
	s31 =	sand.u32 $0x3F, s25  }
0x177: {  	v5 =	vld [tilespmem:s18+$0xFFFFFFC0];
	s2 =	sxor.u32 s31, s28  }
0x178: {  	v3 =	vld.idx.msk [tilespmem:v2+s23+$0x0], $0xffff;
	s2 =	sshll.u32 s2, $0x7  }
0x179: {  	v6 =	vld [tilespmem:s2+$0xA070]  }
0x17a: {  	v7 =	vld [tilespmem:s2+$0x2060]  }
0x17b: {  	v8 =	vld [tilespmem:s2+$0xA050]  }
0x17c: {  	v10 =	vld [tilespmem:s2+$0x2070]  }
0x17d: {  	v9 =	vld [tilespmem:s2+$0x2000]  }
0x17e: {  	v11 =	vld [tilespmem:s2+$0xA020]  }
0x17f: {  	v12 =	vld [tilespmem:s2+$0x2050]  }
0x180: {  	v13 =	vld [tilespmem:s2+$0xA000]  }
0x181: {  	v14 =	vld [tilespmem:s2+$0x2040];
	v16 =	vperm.xlane v10, v1  }
0x182: {  	vm1 =	veq.s32 v4, $0x0;
	v2 =	vsub.f32 $1.000000000e+00, v3;
	v15 =	vld [tilespmem:s2+$0x2030]  }
0x183: {  	v4 =	vld [tilespmem:s2+$0x2020];
	v16 =	vsel vm1, v9, v16  }
0x184: {  	v5 =	vmul.f32 v5, v3;
	v17 =	vld [tilespmem:s2+$0x2010];
	v16 =	vmul.f32 v16, v2  }
0x185: {  	v18 =	vld [tilespmem:s2+$0xA010]  }
0x186: {  	v19 =	vld [tilespmem:s2+$0xA030];
	v20 =	vperm.xlane v6, v1;
	v5 =	vadd.f32 v5, v16  }
0x187: {  	s20 =	simm.s32 $0xE040;
	v21 =	vld [tilespmem:s2+$0xA040]  }
0x188: {  	s19 =	simm.s32 $0x12040;
	v53 =	vld [tilespmem:s2+$0xA060];
	v20 =	vsel vm1, v13, v20;
	[tilespmem:s20+$0xFFFFFFC0] =	vst v5  }
0x189: {  	[tilespmem:s19+$0xFFFFFFC0] =	vst v20  }
0x18a: {  	v5 =	vld [tilespmem:s18+$0xFFFFFFD0];
	_ =	sdelay $0x1  }
0x18b: {  	v54 =	vperm.xlane v7, v1;
	_ =	sdelay $0x1  }
0x18c: {  	v20 =	vsel vm1, v17, v54  }
0x18d: {  	v20 =	vmul.f32 v20, v2;
	v5 =	vmul.f32 v5, v3;
	_ =	sdelay $0x1  }
0x18e: {  	v22 =	vperm.xlane v53, v1;
	v5 =	vadd.f32 v5, v20;
	_ =	sdelay $0x1  }
0x18f: {  	v55 =	vsel vm1, v18, v22;
	[tilespmem:s20+$0xFFFFFFD0] =	vst v5  }
0x190: {  	[tilespmem:s19+$0xFFFFFFD0] =	vst v55  }
0x191: {  	v5 =	vld [tilespmem:s18+$0xFFFFFFE0];
	_ =	sdelay $0x1  }
0x192: {  	v56 =	vperm.xlane v12, v1;
	_ =	sdelay $0x1  }
0x193: {  	v20 =	vsel vm1, v4, v56  }
0x194: {  	v20 =	vmul.f32 v20, v2;
	v5 =	vmul.f32 v5, v3;
	_ =	sdelay $0x1  }
0x195: {  	v57 =	vperm.xlane v8, v1;
	v5 =	vadd.f32 v5, v20;
	_ =	sdelay $0x1  }
0x196: {  	v58 =	vsel vm1, v11, v57;
	[tilespmem:s20+$0xFFFFFFE0] =	vst v5  }
0x197: {  	[tilespmem:s19+$0xFFFFFFE0] =	vst v58  }
0x198: {  	v5 =	vld [tilespmem:s18+$0xFFFFFFF0];
	_ =	sdelay $0x1  }
0x199: {  	v59 =	vperm.xlane v14, v1;
	_ =	sdelay $0x1  }
0x19a: {  	v20 =	vsel vm1, v15, v59  }
0x19b: {  	v20 =	vmul.f32 v20, v2;
	v5 =	vmul.f32 v5, v3;
	_ =	sdelay $0x1  }
0x19c: {  	v60 =	vperm.xlane v21, v1;
	v5 =	vadd.f32 v5, v20;
	_ =	sdelay $0x1  }
0x19d: {  	v61 =	vsel vm1, v19, v60;
	[tilespmem:s20+$0xFFFFFFF0] =	vst v5  }
0x19e: {  	[tilespmem:s19+$0xFFFFFFF0] =	vst v61  }
0x19f: {  	v5 =	vld [tilespmem:s18+$0x0];
	_ =	sdelay $0x1  }
0x1a0: {  	v15 =	vperm.xlane v15, v1;
	_ =	sdelay $0x1  }
0x1a1: {  	v14 =	vsel vm1, v14, v15  }
0x1a2: {  	v14 =	vmul.f32 v14, v2;
	v5 =	vmul.f32 v5, v3;
	_ =	sdelay $0x1  }
0x1a3: {  	v62 =	vperm.xlane v19, v1;
	v5 =	vadd.f32 v5, v14;
	_ =	sdelay $0x1  }
0x1a4: {  	v63 =	vsel vm1, v21, v62;
	[tilespmem:s20+$0x0] =	vst v5  }
0x1a5: {  	[tilespmem:s19+$0x0] =	vst v63  }
0x1a6: {  	v5 =	vld [tilespmem:s18+$0x10];
	_ =	sdelay $0x1  }
0x1a7: {  	v4 =	vperm.xlane v4, v1;
	_ =	sdelay $0x1  }
0x1a8: {  	v4 =	vsel vm1, v12, v4  }
0x1a9: {  	v4 =	vmul.f32 v4, v2;
	v5 =	vmul.f32 v5, v3;
	_ =	sdelay $0x1  }
0x1aa: {  	v11 =	vperm.xlane v11, v1;
	v4 =	vadd.f32 v5, v4;
	_ =	sdelay $0x1  }
0x1ab: {  	v5 =	vsel vm1, v8, v11;
	[tilespmem:s20+$0x10] =	vst v4  }
0x1ac: {  	[tilespmem:s19+$0x10] =	vst v5  }
0x1ad: {  	v4 =	vld [tilespmem:s18+$0x20];
	_ =	sdelay $0x1  }
0x1ae: {  	v5 =	vperm.xlane v17, v1;
	_ =	sdelay $0x1  }
0x1af: {  	v5 =	vsel vm1, v7, v5  }
0x1b0: {  	v5 =	vmul.f32 v5, v2;
	v4 =	vmul.f32 v4, v3;
	_ =	sdelay $0x1  }
0x1b1: {  	v7 =	vperm.xlane v18, v1;
	v4 =	vadd.f32 v4, v5;
	_ =	sdelay $0x1  }
0x1b2: {  	v5 =	vsel vm1, v53, v7;
	[tilespmem:s20+$0x20] =	vst v4  }
0x1b3: {  	[tilespmem:s19+$0x20] =	vst v5  }
0x1b4: {  	v7 =	vld [tilespmem:s18+$0x30];
	_ =	sdelay $0x1  }
0x1b5: {  	v4 =	vperm.xlane v9, v1  }
0x1b6: {  	v5 =	vperm.xlane v13, v1  }
0x1b7: {  	v4 =	vsel vm1, v10, v4  }
0x1b8: {  	s22 =	simm.s32 $0x1;
	s24 =	simm.s32 $0xE040;
	s2 =	simm.s32 $0x12040;
	v5 =	vsel vm1, v6, v5;
	v4 =	vmul.f32 v4, v2;
	v6 =	vmul.f32 v7, v3  }
.LBB2_5:
0x1b9: {  	s20 =	sadd.s32 $0x80, s20;
	s19 =	sadd.s32 $0x80, s19;
	s18 =	sadd.s32 $0x80, s18  }
0x1ba: {  	p0 =	sne.s32 s22, $0x3F;
	s25 =	smov.u32 s22;
	s22 =	sadd.s32 $0x1, s22;
	v4 =	vadd.f32 v6, v4  }
0x1bb: {  	_ = 	snop  }
0x1bc: {  	[tilespmem:s24+$0x30] =	vst v4;
	s24 =	smov.u32 s20  }
0x1bd: {  	s25 =	sxor.u32 s31, s25;
	[tilespmem:s2+$0x30] =	vst v5;
	s2 =	smov.u32 s19  }
0x1be: {  	s25 =	sshll.u32 s25, $0x7;
	v5 =	vld [tilespmem:s18+$0xFFFFFFC0]  }
0x1bf: {  	v7 =	vld [tilespmem:s25+$0xA070]  }
0x1c0: {  	v8 =	vld [tilespmem:s25+$0x2060]  }
0x1c1: {  	v9 =	vld [tilespmem:s25+$0xA050]  }
0x1c2: {  	v6 =	vld [tilespmem:s25+$0x2000]  }
0x1c3: {  	v4 =	vld [tilespmem:s25+$0x2070]  }
0x1c4: {  	v10 =	vld [tilespmem:s25+$0xA020]  }
0x1c5: {  	v11 =	vld [tilespmem:s25+$0x2050]  }
0x1c6: {  	v12 =	vld [tilespmem:s25+$0xA000]  }
0x1c7: {  	v13 =	vld [tilespmem:s25+$0x2040];
	v14 =	vperm.xlane v6, v1  }
0x1c8: {  	v15 =	vld [tilespmem:s25+$0x2030];
	v16 =	vperm.xlane v4, v1  }
0x1c9: {  	v18 =	vperm.xlane v7, v1;
	v17 =	vld [tilespmem:s25+$0x2020];
	v19 =	vperm.xlane v10, v1;
	v4 =	vsel vm1, v4, v14  }
0x1ca: {  	v5 =	vmul.f32 v5, v3;
	v14 =	vld [tilespmem:s25+$0x2010];
	v16 =	vsel vm1, v6, v16  }
0x1cb: {  	v6 =	vld [tilespmem:s25+$0xA010];
	v18 =	vsel vm1, v12, v18;
	v16 =	vmul.f32 v16, v2;
	v19 =	vsel vm1, v9, v19  }
0x1cc: {  	v21 =	vperm.xlane v11, v1;
	v20 =	vld [tilespmem:s25+$0xA030];
	v22 =	vperm.xlane v13, v1  }
0x1cd: {  	v23 =	vld [tilespmem:s25+$0xA040];
	v5 =	vadd.f32 v5, v16;
	v16 =	vperm.xlane v8, v1;
	v24 =	vperm.xlane v15, v1  }
0x1ce: {  	v25 =	vld [tilespmem:s25+$0xA060];
	v21 =	vsel vm1, v17, v21;
	v15 =	vsel vm1, v15, v22;
	v17 =	vperm.xlane v17, v1  }
0x1cf: {  	[tilespmem:s20+$0xFFFFFFC0] =	vst v5;
	v16 =	vsel vm1, v14, v16;
	v13 =	vsel vm1, v13, v24;
	v5 =	vperm.xlane v14, v1  }
0x1d0: {  	v12 =	vperm.xlane v12, v1;
	[tilespmem:s19+$0xFFFFFFC0] =	vst v18;
	v11 =	vsel vm1, v11, v17  }
0x1d1: {  	v14 =	vld [tilespmem:s18+$0xFFFFFFD0];
	v17 =	vperm.xlane v20, v1;
	v8 =	vsel vm1, v8, v5  }
0x1d2: {  	v5 =	vsel vm1, v7, v12;
	v18 =	vperm.xlane v23, v1  }
0x1d3: {  	v7 =	vsel vm1, v23, v17  }
0x1d4: {  	v12 =	vsel vm1, v20, v18  }
0x1d5: {  	v16 =	vmul.f32 v16, v2  }
0x1d6: {  	v14 =	vmul.f32 v14, v3  }
0x1d7: {  	v17 =	vperm.xlane v25, v1  }
0x1d8: {  	v14 =	vadd.f32 v14, v16  }
0x1d9: {  	v16 =	vsel vm1, v6, v17  }
0x1da: {  	[tilespmem:s20+$0xFFFFFFD0] =	vst v14  }
0x1db: {  	[tilespmem:s19+$0xFFFFFFD0] =	vst v16  }
0x1dc: {  	v14 =	vld [tilespmem:s18+$0xFFFFFFE0];
	_ =	sdelay $0x3  }
0x1dd: {  	v16 =	vmul.f32 v21, v2  }
0x1de: {  	v14 =	vmul.f32 v14, v3  }
0x1df: {  	v9 =	vperm.xlane v9, v1  }
0x1e0: {  	v14 =	vadd.f32 v14, v16  }
0x1e1: {  	v9 =	vsel vm1, v10, v9  }
0x1e2: {  	[tilespmem:s20+$0xFFFFFFE0] =	vst v14  }
0x1e3: {  	[tilespmem:s19+$0xFFFFFFE0] =	vst v9  }
0x1e4: {  	v9 =	vld [tilespmem:s18+$0xFFFFFFF0];
	_ =	sdelay $0x3  }
0x1e5: {  	v10 =	vmul.f32 v15, v2  }
0x1e6: {  	v9 =	vmul.f32 v9, v3;
	_ =	sdelay $0x1  }
0x1e7: {  	v9 =	vadd.f32 v9, v10;
	_ =	sdelay $0x1  }
0x1e8: {  	[tilespmem:s20+$0xFFFFFFF0] =	vst v9  }
0x1e9: {  	[tilespmem:s19+$0xFFFFFFF0] =	vst v12  }
0x1ea: {  	v9 =	vld [tilespmem:s18+$0x0];
	_ =	sdelay $0x3  }
0x1eb: {  	v10 =	vmul.f32 v13, v2  }
0x1ec: {  	v9 =	vmul.f32 v9, v3;
	_ =	sdelay $0x1  }
0x1ed: {  	v9 =	vadd.f32 v9, v10;
	_ =	sdelay $0x1  }
0x1ee: {  	[tilespmem:s20+$0x0] =	vst v9  }
0x1ef: {  	[tilespmem:s19+$0x0] =	vst v7  }
0x1f0: {  	v7 =	vld [tilespmem:s18+$0x10];
	_ =	sdelay $0x3  }
0x1f1: {  	v9 =	vmul.f32 v11, v2  }
0x1f2: {  	v7 =	vmul.f32 v7, v3;
	_ =	sdelay $0x1  }
0x1f3: {  	v7 =	vadd.f32 v7, v9;
	_ =	sdelay $0x1  }
0x1f4: {  	[tilespmem:s20+$0x10] =	vst v7  }
0x1f5: {  	[tilespmem:s19+$0x10] =	vst v19  }
0x1f6: {  	v7 =	vld [tilespmem:s18+$0x20];
	_ =	sdelay $0x3  }
0x1f7: {  	v8 =	vmul.f32 v8, v2  }
0x1f8: {  	v7 =	vmul.f32 v7, v3  }
0x1f9: {  	v6 =	vperm.xlane v6, v1  }
0x1fa: {  	v7 =	vadd.f32 v7, v8  }
0x1fb: {  	v6 =	vsel vm1, v25, v6  }
0x1fc: {  	[tilespmem:s20+$0x20] =	vst v7  }
0x1fd: {  	[tilespmem:s19+$0x20] =	vst v6  }
0x1fe: {  	v6 =	vld [tilespmem:s18+$0x30]  }
.Ltmp3:
0x1ff: {  	(pc) =	sbr.rel @p0 .LBB2_5-.Ltmp3, $3  }
0x200: {  	_ =	sdelay $0x1  }
0x201: {  	v4 =	vmul.f32 v4, v2  }
0x202: {  	v6 =	vmul.f32 v6, v3  }
0x203: {  	_ = 	snop  }
0x204: {  	v2 =	vadd.f32 v6, v4;
	_ =	sdelay $0x1  }
.Ltmp4:
0x205: {  	s16 =	sor.u32 $0x400, s16;
	[tilespmem:s24+$0x30] =	vst v2;
	(pc) =	sbr.rel @p1 .LBB2_8-.Ltmp4, $4  }
0x206: {  	s28 =	sadd.s32 s4, s16;
	[tilespmem:s2+$0x30] =	vst v5  }
0x207: {  	[hbm4b:s28+s7] =	stream.linear.scatter [tilespmem:s30], [sflag:$0x8], $0x2000, $0x38;
	[tilespmem:$0x14380] =	vst v63  }
0x208: {  	s31 =	sadd.s32 s6, s16  }
0x209: {  	[hbm4b:s31+s7] =	stream.linear.scatter [tilespmem:s15], [sflag:$0xA], $0x2000, $0x38;
	[tilespmem:$0x14380] =	vst v63  }
0x20a: {  	s17 =	sadd.s32 $0x1, s17  }
0x20b: {  	s2 =	sand.u32 $0xF0, s17  }
0x20c: {  	v2 =	vld [tilespmem:s2+$0x14080];
	_ =	sdelay $0x1  }
0x20d: {  	s25 =	sand.u32 $0xF, s17  }
0x20e: {  	v3 =	vmov s25  }
0x20f: {  	vm1 =	veq.s32 v3, v0  }
0x210: {  	v2 =	vnsel vm1, $0x0, v2  }
0x211: {  	(xrf0) =	vadd.scan.msk.s32 $0xffff, v2;
	_ =	sdelay $0x5  }
0x212: {  	v2, _, _ =	vpop (xrf0)  }
0x213: {  	(v2sf) =	vpush v2, $0xF;
	_ =	sdelay $0xe  }
0x214: {  	s28 =	spop (v2sf)  }
0x215: {  	s16 =	sadd.s32 s8, s17;
	s2 =	sshll.u32 s28, $0x4  }
0x216: {  	s16 =	sshll.u32 s16, $0xB;
	s2 =	sand.u32 $0x400, s2  }
0x217: {  	s2 =	sor.u32 s16, s2  }
0x218: {  	s2 =	sxor.u32 $0x400, s2  }
.Ltmp5:
0x219: {  	s19 =	simm.s32 $0x2000;
	s18 =	sadd.s32 s0, s2;
	(pc) =	sbr.rel .LBB2_2-.Ltmp5, $4  }
0x21a: {  	[tilespmem:s19], [sflag:$0x2] =	stream.linear.gather [hbm4b:s18+s7], $0x2000, $0x38;
	[tilespmem:$0x14380] =	vst v63  }
0x21b: {  	s31 =	simm.s32 $0xA000;
	s2 =	sadd.s32 s1, s2  }
0x21c: {  	[tilespmem:s31], [sflag:$0x6] =	stream.linear.gather [hbm4b:s2+s7], $0x2000, $0x38;
	[tilespmem:$0x14380] =	vst v63  }
0x21d: {  	s2 =	sand.u32 $0x1FFFF800, s16  }
.LBB2_9:
0x21e: {  	_ =	sfence.sel $0x180000  }
0x21f: {  	[bflag:$0x0] =	sbarrier.arrive $0xFFFF  }
0x220: {  	_ =	strace $0x90000047  }
0x221: {  	s0 =	stileid.u32;
	[bflag:$0x2] =	sbarrier.arrive $0xFFFF  }
0x222: {  	p0 =	sne.s32 s0, $0x0;
	s0 =	rddreg [dreg:$0xb]  }
0x223: {  	s0 =	sadd.s32 @!p0 $0x100000, s0  }
0x224: {  	[sflag:s0] =	ssyncadd.tile.s32 @!p0 $0x1;
	_ =	shalt  }
.Lfunc_end2:
_tile_overlayer_lowered:
.L_overlay_start_2:
0x225: {  	(tag) =	ssettag $0x2  }
0x226: {  	s0 =	rddreg [dreg:$0x0];
	s2 =	stileid.u32  }
0x227: {  	s1 =	rddreg [dreg:$0x1];
	p0 =	sne.s32 s2, $0x0  }
0x228: {  	s3 =	rddreg [dreg:$0x2];
	[bflag:$0x3] =	sbarrier.arrive $0xFFFF;
	s2 =	simm.s32 @!p0 $0x1C0B  }
0x229: {  	[timem:s3], [sflag:s2] =	dma.local @!p0 [hbm:s0], s1  }
0x22a: {  	s0 =	simm.s32 @!p0 $0xB  }
0x22b: {  	_ =	swait.ge @!p0 [sflag:s0], s1  }
0x22c: {  	s1 =	ssub.s32 @!p0 $0x0, s1;
	[sflag:s0] =	ssyncset.done @!p0 $0x0  }
0x22d: {  	[sflag:s0] =	ssyncadd.s32 @!p0 s1  }
0x22e: {  	[bflag:$0x3] =	sbarrier.arrive $0xFFFF  }
0x22f: {  	_ =	shalt  }

</sc_bundles>
